<compile_context>
chip_gen: v7x
topology: tpu7x:2x2x1
jax: 0.10.2.dev20260603
libtpu: 0.0.44.dev20260713+nightly
codegen_flags: <defaults>
</compile_context>

<pallas_src>
import jax
import jax.numpy as jnp
from jax import lax
from jax.experimental import pallas as pl
from jax.experimental.pallas import tpu as pltpu
from jax.experimental.pallas import tpu_sc as plsc

L = 16
B = 8
N = 4096
NPOINT = 512
QUARTER = N // 4
QCHUNK = QUARTER // L
NCHUNK = N // L
SPOINT = NPOINT // 4
RADIUS_SQ = 0.25
BIG = 2 ** 30
SH_ROWS = 64
SH_BASE = 32


def _bf16_round(x):
    u = plsc.bitcast(x, jnp.uint32)
    u = (u + jnp.uint32(0x7FFF) + ((u >> 16) & jnp.uint32(1))) & jnp.uint32(0xFFFF0000)
    return plsc.bitcast(u, jnp.float32)


def _store_scalar_i32(ref, pos, valv):
    lane0 = lax.iota(jnp.int32, L) == 0
    plsc.store_scatter(ref, [jnp.full((L,), pos, jnp.int32)], valv, mask=lane0)


def _sc_body(xyz_hbm, out_hbm, x_v, dist_v, cent_v, sb_v, idx_v, xb_v,
             pair_v, comb_v, sh):
    cid = lax.axis_index("c")
    sid = lax.axis_index("s")
    g = sid // 4
    q = sid % 4
    b = cid * 4 + g
    qbase = q * QUARTER
    lanes = lax.iota(jnp.int32, L)

    pltpu.sync_copy(xyz_hbm.at[b], x_v)

    zeros16 = jnp.zeros((L,), jnp.int32)
    ones16 = jnp.full((L,), 1, jnp.int32)
    twos16 = jnp.full((L,), 2, jnp.int32)

    def combine(lmaxv, lidxv, bank):
        mx = jnp.max(lmaxv)
        li = jnp.min(jnp.where(lmaxv == mx, lidxv, BIG))
        pair_v[0, :] = jnp.full((L,), mx, jnp.float32)
        pair_v[1, :] = plsc.bitcast(jnp.full((L,), li, jnp.int32), jnp.float32)
        base = SH_BASE + bank * 16
        pltpu.sync_copy(pair_v, sh.at[base + sid])
        plsc.subcore_barrier()
        pltpu.sync_copy(sh.at[pl.ds(base + g * 4, 4)], comb_v)
        v0, i0 = comb_v[0, 0], plsc.bitcast(comb_v[0, 1], jnp.int32)
        v1, i1 = comb_v[1, 0], plsc.bitcast(comb_v[1, 1], jnp.int32)
        v2, i2 = comb_v[2, 0], plsc.bitcast(comb_v[2, 1], jnp.int32)
        v3, i3 = comb_v[3, 0], plsc.bitcast(comb_v[3, 1], jnp.int32)
        m = jnp.maximum(jnp.maximum(v0, v1), jnp.maximum(v2, v3))
        win = jnp.where(v0 == m, i0,
                        jnp.where(v1 == m, i1,
                                  jnp.where(v2 == m, i2, i3)))
        return jnp.minimum(jnp.maximum(win, 0), N - 1)

    rmax0 = jnp.full((L,), -1e30, jnp.float32)

    @plsc.parallel_loop(0, QCHUNK, unroll=8,
                        carry=(rmax0, jnp.zeros((L,), jnp.int32)))
    def init_chunk(ci, carry):
        rmax, ridx = carry
        goff = qbase + ci * L
        xv = x_v[0, pl.ds(goff, L)]
        dist_v[pl.ds(ci * L, L)] = jnp.full((L,), 1e10, jnp.float32)
        m = xv > rmax
        rmax = jnp.where(m, xv, rmax)
        ridx = jnp.where(m, goff + lanes, ridx)
        return rmax, ridx

    rmax, ridx = init_chunk
    farv0 = combine(rmax, ridx, 0)

    def fps_step(i, farv, bank):
        _store_scalar_i32(cent_v, i, farv)
        cx = plsc.load_gather(x_v, [zeros16, farv])
        cy = plsc.load_gather(x_v, [ones16, farv])
        cz = plsc.load_gather(x_v, [twos16, farv])

        @plsc.parallel_loop(0, QCHUNK, unroll=8,
                            carry=(jnp.full((L,), -1.0, jnp.float32),
                                   jnp.zeros((L,), jnp.int32)))
        def chunk(ci, carry):
            rmax, ridx = carry
            loff = ci * L
            goff = qbase + loff
            xv = x_v[0, pl.ds(goff, L)]
            yv = x_v[1, pl.ds(goff, L)]
            zv = x_v[2, pl.ds(goff, L)]
            dx = xv - cx
            dy = yv - cy
            dz = zv - cz
            d = dx * dx + dy * dy + dz * dz
            old = dist_v[pl.ds(loff, L)]
            nd = jnp.minimum(d, old)
            dist_v[pl.ds(loff, L)] = nd
            m = nd > rmax
            rmax = jnp.where(m, nd, rmax)
            ridx = jnp.where(m, jnp.full((L,), ci, jnp.int32), ridx)
            return rmax, ridx

        rmax, ridx = chunk
        gidx = qbase + ridx * L + lanes
        return combine(rmax, gidx, bank)

    def fps_pair(j, farv):
        farv = fps_step(2 * j, farv, 1)
        return fps_step(2 * j + 1, farv, 0)

    lax.fori_loop(0, NPOINT // 2, fps_pair, farv0)

    @plsc.parallel_loop(0, NCHUNK, unroll=8)
    def sb_chunk(ci):
        off = ci * L
        xv = x_v[0, pl.ds(off, L)]
        yv = x_v[1, pl.ds(off, L)]
        zv = x_v[2, pl.ds(off, L)]
        sb_v[pl.ds(off, L)] = xv * xv + yv * yv + zv * zv
        xb_v[0, pl.ds(off, L)] = _bf16_round(xv)
        xb_v[1, pl.ds(off, L)] = _bf16_round(yv)
        xb_v[2, pl.ds(off, L)] = _bf16_round(zv)

    def ball(t, _):
        si = q * SPOINT + t
        fsplat = plsc.load_gather(cent_v, [jnp.full((L,), si, jnp.int32)])
        fsplat = jnp.minimum(jnp.maximum(fsplat, 0), N - 1)
        cx = plsc.load_gather(x_v, [zeros16, fsplat])
        cy = plsc.load_gather(x_v, [ones16, fsplat])
        cz = plsc.load_gather(x_v, [twos16, fsplat])
        sa = cx * cx + cy * cy + cz * cz
        cxb = plsc.load_gather(xb_v, [zeros16, fsplat])
        cyb = plsc.load_gather(xb_v, [ones16, fsplat])
        czb = plsc.load_gather(xb_v, [twos16, fsplat])

        def cond(carry):
            ci, found = carry
            return jnp.logical_and(found >= BIG, ci < NCHUNK)

        def body(carry):
            ci, found = carry
            off = ci * L
            xv = xb_v[0, pl.ds(off, L)]
            yv = xb_v[1, pl.ds(off, L)]
            zv = xb_v[2, pl.ds(off, L)]
            sbv = sb_v[pl.ds(off, L)]
            dot = cxb * xv + cyb * yv + czb * zv
            t2 = -2.0 * dot
            t2 = t2 + sa
            t2 = t2 + sbv
            hit = jnp.logical_not(t2 > RADIUS_SQ)
            cand = jnp.min(jnp.where(hit, off + lanes, BIG))
            return ci + 1, jnp.minimum(found, cand)

        _, found = lax.while_loop(cond, body, (jnp.int32(0), jnp.int32(BIG)))
        _store_scalar_i32(idx_v, t, jnp.full((L,), found, jnp.int32))
        return 0

    lax.fori_loop(0, SPOINT, ball, 0)
    pltpu.sync_copy(idx_v, out_hbm.at[b, pl.ds(q * SPOINT, SPOINT)])


_mesh = plsc.VectorSubcoreMesh(core_axis_name="c", subcore_axis_name="s")

_sc_call = pl.kernel(
    _sc_body,
    out_type=jax.ShapeDtypeStruct((B, NPOINT), jnp.int32),
    mesh=_mesh,
    compiler_params=pltpu.CompilerParams(needs_layout_passes=False),
    scratch_types=[
        pltpu.VMEM((3, N), jnp.float32),
        pltpu.VMEM((QUARTER,), jnp.float32),
        pltpu.VMEM((NPOINT,), jnp.int32),
        pltpu.VMEM((N,), jnp.float32),
        pltpu.VMEM((SPOINT,), jnp.int32),
        pltpu.VMEM((3, N), jnp.float32),
        pltpu.VMEM((2, L), jnp.float32),
        pltpu.VMEM((4, 2, L), jnp.float32),
        pltpu.VMEM_SHARED((SH_ROWS, 2, L), jnp.float32),
    ],
)


def kernel(xyz, cls_label, npoint):
    del cls_label, npoint
    out = _sc_call(xyz)
    return out.reshape(B, NPOINT, 1)

# --- scband reference (transcript-rebuilt; emitter-appended) ---
"""Pipeline reference for scband-net-15238543966692 (READ-ONLY COPY).

The authoritative reference and input builder live on the scoring server;
editing this copy changes nothing except your own understanding.
"""

import jax, jax.numpy as jnp
import numpy as np


def square_distance(src, dst):
    dist = -2.0 * jnp.matmul(src, jnp.transpose(dst, (0, 2, 1)))
    dist = dist + jnp.sum(src ** 2, -1)[:, :, None]
    dist = dist + jnp.sum(dst ** 2, -1)[:, None, :]
    return dist


def farthest_point_sample(xyz, npoint):
    B, N, C = xyz.shape
    centroids0 = jnp.zeros((B, npoint), dtype=jnp.int32)
    distance0 = jnp.full((B, N), 1e10, dtype=xyz.dtype)
    farthest0 = jnp.argmax(xyz[:, :, 0], axis=1).astype(jnp.int32)
    batch_indices = jnp.arange(B)

    def body(i, carry):
        centroids, distance, farthest = carry
        centroids = centroids.at[:, i].set(farthest)
        centroid = xyz[batch_indices, farthest, :].reshape(B, 1, C)
        dist = jnp.sum((xyz - centroid) ** 2, -1)
        distance = jnp.where(dist < distance, dist, distance)
        farthest = jnp.argmax(distance, axis=-1).astype(jnp.int32)
        return (centroids, distance, farthest)

    centroids, _, _ = jax.lax.fori_loop(0, npoint, body, (centroids0, distance0, farthest0))
    return centroids


def index_points(points, idx):
    B = points.shape[0]
    batch_indices = jnp.arange(B).reshape((B,) + (1,) * (idx.ndim - 1))
    return points[batch_indices, idx, :]


def query_ball_point(radius, nsample, xyz, new_xyz):
    B, N, C = xyz.shape
    S = new_xyz.shape[1]
    group_idx = jnp.broadcast_to(jnp.arange(N, dtype=jnp.int32).reshape(1, 1, N), (B, S, N))
    sqrdists = square_distance(new_xyz, xyz)
    group_idx = jnp.where(sqrdists > radius ** 2, jnp.int32(N), group_idx)
    group_idx = jnp.sort(group_idx, axis=-1)[:, :, :nsample]
    group_first = jnp.broadcast_to(group_idx[:, :, 0:1], (B, S, nsample))
    group_idx = jnp.where(group_idx == N, group_first, group_idx)
    return group_idx


def setup_inputs(seed: int = 0):
    key = jax.random.key(seed)
    k1, k2 = jax.random.split(key)
    xyz = jax.random.uniform(k1, (8, 3, 4096), dtype=jnp.float32)
    cls_label = jax.random.normal(k2, (8, 16), dtype=jnp.float32)
    return {"xyz": xyz, "cls_label": cls_label, "npoint": 512}


def reference(xyz, cls_label, npoint):
    x = jnp.transpose(xyz, (0, 2, 1))
    npoint_static = 512
    fps_idx = farthest_point_sample(x, npoint_static)
    new_xyz = index_points(x, fps_idx)
    idx = query_ball_point(0.5, 1, x, new_xyz)
    npoint_zero = (jnp.asarray(npoint) - jnp.asarray(npoint)).astype(idx.dtype)
    return idx + npoint_zero

if __name__ == "__main__":
    import jax
    _d = setup_inputs()
    print(jax.jit(kernel)(*tuple(_d.values())))

</pallas_src>

<mosaic_0001>
#map = affine_map<(d0, d1) -> (0, 0, 0)>
#map1 = affine_map<(d0, d1) -> (0, 0)>
module attributes {stable_mosaic.version = 14 : i64} {
  func.func @_sc_body(%arg0: i32, %arg1: i32, %arg2: memref<8x3x4096xf32, #tpu.memory_space<hbm>>, %arg3: memref<8x512xi32, #tpu.memory_space<hbm>>, %arg4: memref<3x4096xf32, #tpu.memory_space<vmem>>, %arg5: memref<1024xf32, #tpu.memory_space<vmem>>, %arg6: memref<512xi32, #tpu.memory_space<vmem>>, %arg7: memref<4096xf32, #tpu.memory_space<vmem>>, %arg8: memref<128xi32, #tpu.memory_space<vmem>>, %arg9: memref<3x4096xf32, #tpu.memory_space<vmem>>, %arg10: memref<2x16xf32, #tpu.memory_space<vmem>>, %arg11: memref<4x2x16xf32, #tpu.memory_space<vmem>>, %arg12: memref<64x2x16xf32, #tpu.memory_space<vmem_shared>>) attributes {dimension_semantics = [#tpu.dimension_semantics<core_parallel>, #tpu.dimension_semantics<subcore_parallel>], iteration_bounds = array<i64: 2, 16>, scalar_prefetch = 0 : i64, scratch_operands = 9 : i64, tpu.core_type = #tpu.core_type<sc_vector_subcore>, window_params = [{transform_indices = #map}, {transform_indices = #map1}]} {
    %jit3A = arith.constant 4 : i32
    %div3A = arith.divsi %arg1, %jit3A : i32
    %sign3A = arith.constant 0 : i32
    %sign3A_0 = arith.cmpi sgt, %arg1, %sign3A : i32
    %sign3A_1 = arith.extui %sign3A_0 : i1 to i32
    %sign3A_2 = arith.constant 0 : i32
    %sign3A_3 = arith.cmpi slt, %arg1, %sign3A_2 : i32
    %sign3A_4 = arith.extui %sign3A_3 : i1 to i32
    %sign3A_5 = arith.subi %sign3A_1, %sign3A_4 : i32
    %sign3A_6 = arith.constant 0 : i32
    %sign3A_7 = arith.cmpi sgt, %jit3A, %sign3A_6 : i32
    %sign3A_8 = arith.extui %sign3A_7 : i1 to i32
    %sign3A_9 = arith.constant 0 : i32
    %sign3A_10 = arith.cmpi slt, %jit3A, %sign3A_9 : i32
    %sign3A_11 = arith.extui %sign3A_10 : i1 to i32
    %sign3A_12 = arith.subi %sign3A_8, %sign3A_11 : i32
    %ne3A = arith.cmpi ne, %sign3A_5, %sign3A_12 : i32
    %rem3A = arith.remsi %arg1, %jit3A : i32
    %ne3A_13 = arith.constant 0 : i32
    %ne3A_14 = arith.cmpi ne, %rem3A, %ne3A_13 : i32
    %and3A = arith.andi %ne3A, %ne3A_14 : i1
    %sub3A = arith.constant 1 : i32
    %sub3A_15 = arith.subi %div3A, %sub3A : i32
    %select_n3A = arith.select %and3A, %sub3A_15, %div3A : i32
    %jit3A_16 = arith.constant 4 : i32
    %eq3A = arith.constant 0 : i32
    %eq3A_17 = arith.cmpi eq, %jit3A_16, %eq3A : i32
    %jit3A_18 = arith.constant 1 : i32
    %select_n3A_19 = arith.select %eq3A_17, %jit3A_18, %jit3A_16 : i32
    %rem3A_20 = arith.remsi %arg1, %select_n3A_19 : i32
    %ne3A_21 = arith.constant 0 : i32
    %ne3A_22 = arith.cmpi ne, %rem3A_20, %ne3A_21 : i32
    %lt3A = arith.constant 0 : i32
    %lt3A_23 = arith.cmpi slt, %rem3A_20, %lt3A : i32
    %lt3A_24 = arith.constant 0 : i32
    %lt3A_25 = arith.cmpi slt, %select_n3A_19, %lt3A_24 : i32
    %ne3A_26 = arith.xori %lt3A_23, %lt3A_25 : i1
    %and3A_27 = arith.andi %ne3A_26, %ne3A_22 : i1
    %add3A = arith.addi %rem3A_20, %select_n3A_19 : i32
    %select_n3A_28 = arith.select %and3A_27, %add3A, %rem3A_20 : i32
    %mul3A = arith.constant 4 : i32
    %mul3A_29 = arith.muli %arg0, %mul3A : i32
    %add3A_30 = arith.addi %mul3A_29, %select_n3A : i32
    %mul3A_31 = arith.constant 1024 : i32
    %mul3A_32 = arith.muli %select_n3A_28, %mul3A_31 : i32
    %iota3A = tpu.iota {dimensions = array<i32: 0>} : vector<16xi32>
    "tpu.region"() ({
      %run_scoped3A = tpu.sem_alloc : memref<!tpu.dma_semaphore, #tpu.memory_space<semaphore_mem>>
      %dma_start3A = arith.constant 0 : i32
      %dma_start3A_156 = arith.constant 0 : i32
      %dma_start3A_157 = tpu.memref_slice %arg2[%add3A_30, %dma_start3A, %dma_start3A_156] : memref<8x3x4096xf32, #tpu.memory_space<hbm>> -> memref<1x3x4096xf32, #tpu.memory_space<hbm>>
      %dma_start3A_158 = tpu.memref_squeeze %dma_start3A_157 : memref<1x3x4096xf32, #tpu.memory_space<hbm>> -> memref<3x4096xf32, #tpu.memory_space<hbm>>
      %dma_start3A_159 = arith.constant 0 : i32
      %dma_start3A_160 = arith.constant 0 : i32
      %dma_start3A_161 = tpu.memref_slice %arg2[%add3A_30, %dma_start3A_159, %dma_start3A_160] : memref<8x3x4096xf32, #tpu.memory_space<hbm>> -> memref<1x3x4096xf32, #tpu.memory_space<hbm>>
      %dma_start3A_162 = tpu.memref_squeeze %dma_start3A_161 : memref<1x3x4096xf32, #tpu.memory_space<hbm>> -> memref<3x4096xf32, #tpu.memory_space<hbm>>
      tpu.enqueue_dma source(%dma_start3A_162 : memref<3x4096xf32, #tpu.memory_space<hbm>>) target(%arg4 : memref<3x4096xf32, #tpu.memory_space<vmem>>) target_semaphore(%run_scoped3A : memref<!tpu.dma_semaphore, #tpu.memory_space<semaphore_mem>>)
      %dma_wait3A = arith.constant 0 : i32
      %dma_wait3A_163 = arith.constant 0 : i32
      %dma_wait3A_164 = tpu.memref_slice %arg2[%add3A_30, %dma_wait3A, %dma_wait3A_163] : memref<8x3x4096xf32, #tpu.memory_space<hbm>> -> memref<1x3x4096xf32, #tpu.memory_space<hbm>>
      %dma_wait3A_165 = tpu.memref_squeeze %dma_wait3A_164 : memref<1x3x4096xf32, #tpu.memory_space<hbm>> -> memref<3x4096xf32, #tpu.memory_space<hbm>>
      %dma_wait3A_166 = arith.constant 0 : i32
      %dma_wait3A_167 = arith.constant 0 : i32
      %dma_wait3A_168 = tpu.memref_slice %arg2[%add3A_30, %dma_wait3A_166, %dma_wait3A_167] : memref<8x3x4096xf32, #tpu.memory_space<hbm>> -> memref<1x3x4096xf32, #tpu.memory_space<hbm>>
      %dma_wait3A_169 = tpu.memref_squeeze %dma_wait3A_168 : memref<1x3x4096xf32, #tpu.memory_space<hbm>> -> memref<3x4096xf32, #tpu.memory_space<hbm>>
      tpu.wait_dma2 semaphore(%run_scoped3A : memref<!tpu.dma_semaphore, #tpu.memory_space<semaphore_mem>>) src(%dma_wait3A_169 : memref<3x4096xf32, #tpu.memory_space<hbm>>) dst(%arg4 : memref<3x4096xf32, #tpu.memory_space<vmem>>)
      tpu.yield
    }) : () -> ()
    %broadcast_in_dim3A = arith.constant 0 : i32
    %broadcast_in_dim3A_33 = vector.broadcast %broadcast_in_dim3A : i32 to vector<16xi32>
    %broadcast_in_dim3A_34 = arith.constant 1 : i32
    %broadcast_in_dim3A_35 = vector.broadcast %broadcast_in_dim3A_34 : i32 to vector<16xi32>
    %broadcast_in_dim3A_36 = arith.constant 2 : i32
    %broadcast_in_dim3A_37 = vector.broadcast %broadcast_in_dim3A_36 : i32 to vector<16xi32>
    %broadcast_in_dim3A_38 = arith.constant -1.000000e+30 : f32
    %broadcast_in_dim3A_39 = vector.broadcast %broadcast_in_dim3A_38 : f32 to vector<16xf32>
    %broadcast_in_dim3A_40 = arith.constant 0 : i32
    %broadcast_in_dim3A_41 = vector.broadcast %broadcast_in_dim3A_40 : i32 to vector<16xi32>
    %parallel_loop3A = arith.constant 0 : i32
    %parallel_loop3A_42 = arith.constant 64 : i32
    %parallel_loop3A_43 = arith.constant 1 : i32
    %parallel_loop3A_44:2 = scf.for %parallel_loop3A_156 = %parallel_loop3A to %parallel_loop3A_42 step %parallel_loop3A_43 iter_args(%parallel_loop3A_157 = %broadcast_in_dim3A_39, %parallel_loop3A_158 = %broadcast_in_dim3A_41) -> (vector<16xf32>, vector<16xi32>)  : i32 {
      %parallel_loop3A_159 = arith.constant 16 : i32
      %parallel_loop3A_160 = arith.muli %parallel_loop3A_156, %parallel_loop3A_159 : i32
      %parallel_loop3A_161 = arith.addi %mul3A_32, %parallel_loop3A_160 : i32
      %parallel_loop3A_162 = arith.constant 0 : i32
      %parallel_loop3A_163 = arith.index_cast %parallel_loop3A_162 : i32 to index
      %parallel_loop3A_164 = arith.index_cast %parallel_loop3A_161 : i32 to index
      %parallel_loop3A_165 = tpu.vector_load %arg4[%parallel_loop3A_163, %parallel_loop3A_164] {strides = array<i32>} : memref<3x4096xf32, #tpu.memory_space<vmem>>, vector<16xf32>,
      %parallel_loop3A_166 = arith.constant 1.000000e+10 : f32
      %parallel_loop3A_167 = vector.broadcast %parallel_loop3A_166 : f32 to vector<16xf32>
      %parallel_loop3A_168 = arith.constant 16 : i32
      %parallel_loop3A_169 = arith.muli %parallel_loop3A_156, %parallel_loop3A_168 : i32
      %parallel_loop3A_170 = arith.index_cast %parallel_loop3A_169 : i32 to index
      %parallel_loop3A_171 = tpu.vector_load %arg5[%parallel_loop3A_170] {strides = array<i32>} : memref<1024xf32, #tpu.memory_space<vmem>>, vector<16xf32>,
      tpu.vector_store %arg5[%parallel_loop3A_170], %parallel_loop3A_167 {strides = array<i32>} : memref<1024xf32, #tpu.memory_space<vmem>>, vector<16xf32>,
      %parallel_loop3A_172 = arith.cmpf ogt, %parallel_loop3A_165, %parallel_loop3A_157 : vector<16xf32>
      %parallel_loop3A_173 = arith.select %parallel_loop3A_172, %parallel_loop3A_165, %parallel_loop3A_157 : vector<16xi1>, vector<16xf32>
      %parallel_loop3A_174 = vector.broadcast %parallel_loop3A_161 : i32 to vector<16xi32>
      %parallel_loop3A_175 = arith.addi %parallel_loop3A_174, %iota3A : vector<16xi32>
      %parallel_loop3A_176 = arith.select %parallel_loop3A_172, %parallel_loop3A_175, %parallel_loop3A_158 : vector<16xi1>, vector<16xi32>
      scf.yield %parallel_loop3A_173, %parallel_loop3A_176 : vector<16xf32>, vector<16xi32>
    } {sc.loop_unroll_factor = 8 : i64, sc.parallel_access}
    %reduce_max3A = arith.constant true
    %reduce_max3A_45 = vector.broadcast %reduce_max3A : i1 to vector<16xi1>
    %reduce_max3A_46 = tpu.scan <max>, %parallel_loop3A_44#0 masked %reduce_max3A_45 : vector<16xf32>, vector<16xi1> -> vector<16xf32>
    %reduce_max3A_47 = vector.extract %reduce_max3A_46[15] : f32 from vector<16xf32>
    %eq3A_48 = vector.broadcast %reduce_max3A_47 : f32 to vector<16xf32>
    %eq3A_49 = arith.cmpf oeq, %parallel_loop3A_44#0, %eq3A_48 : vector<16xf32>
    %jit3A_50 = arith.constant 1073741824 : i32
    %broadcast_in_dim3A_51 = vector.broadcast %jit3A_50 : i32 to vector<16xi32>
    %select_n3A_52 = arith.select %eq3A_49, %parallel_loop3A_44#1, %broadcast_in_dim3A_51 : vector<16xi1>, vector<16xi32>
    %reduce_min3A = arith.constant true
    %reduce_min3A_53 = vector.broadcast %reduce_min3A : i1 to vector<16xi1>
    %reduce_min3A_54 = arith.constant -2147483648 : i32
    %reduce_min3A_55 = vector.broadcast %reduce_min3A_54 : i32 to vector<16xi32>
    %reduce_min3A_56 = arith.xori %select_n3A_52, %reduce_min3A_55 : vector<16xi32>
    %reduce_min3A_57 = tpu.scan <min>, %reduce_min3A_56 masked %reduce_min3A_53 : vector<16xi32>, vector<16xi1> -> vector<16xi32>
    %reduce_min3A_58 = arith.xori %reduce_min3A_57, %reduce_min3A_55 : vector<16xi32>
    %reduce_min3A_59 = vector.extract %reduce_min3A_58[15] : i32 from vector<16xi32>
    %broadcast_in_dim3A_60 = vector.broadcast %reduce_max3A_47 : f32 to vector<16xf32>
    %swap3A = arith.constant 0 : i32
    %swap3A_61 = arith.index_cast %swap3A : i32 to index
    %swap3A_62 = arith.constant 0 : index
    %swap3A_63 = tpu.vector_load %arg10[%swap3A_61, %swap3A_62] {strides = array<i32>} : memref<2x16xf32, #tpu.memory_space<vmem>>, vector<16xf32>,
    tpu.vector_store %arg10[%swap3A_61, %swap3A_62], %broadcast_in_dim3A_60 {strides = array<i32>} : memref<2x16xf32, #tpu.memory_space<vmem>>, vector<16xf32>,
    %broadcast_in_dim3A_64 = vector.broadcast %reduce_min3A_59 : i32 to vector<16xi32>
    %bitcast3A = vector.bitcast %broadcast_in_dim3A_64 : vector<16xi32> to vector<16xf32>
    %swap3A_65 = arith.constant 1 : i32
    %swap3A_66 = arith.index_cast %swap3A_65 : i32 to index
    %swap3A_67 = arith.constant 0 : index
    %swap3A_68 = tpu.vector_load %arg10[%swap3A_66, %swap3A_67] {strides = array<i32>} : memref<2x16xf32, #tpu.memory_space<vmem>>, vector<16xf32>,
    tpu.vector_store %arg10[%swap3A_66, %swap3A_67], %bitcast3A {strides = array<i32>} : memref<2x16xf32, #tpu.memory_space<vmem>>, vector<16xf32>,
    %add3A_69 = arith.constant 32 : i32
    %add3A_70 = arith.addi %add3A_69, %arg1 : i32
    "tpu.region"() ({
      %run_scoped3A = tpu.sem_alloc : memref<!tpu.dma_semaphore, #tpu.memory_space<semaphore_mem>>
      %dma_start3A = arith.constant 0 : i32
      %dma_start3A_156 = arith.constant 0 : i32
      %dma_start3A_157 = tpu.memref_slice %arg12[%add3A_70, %dma_start3A, %dma_start3A_156] : memref<64x2x16xf32, #tpu.memory_space<vmem_shared>> -> memref<1x2x16xf32, #tpu.memory_space<vmem_shared>>
      %dma_start3A_158 = tpu.memref_squeeze %dma_start3A_157 : memref<1x2x16xf32, #tpu.memory_space<vmem_shared>> -> memref<2x16xf32, #tpu.memory_space<vmem_shared>>
      %dma_start3A_159 = arith.constant 0 : i32
      %dma_start3A_160 = arith.constant 0 : i32
      %dma_start3A_161 = tpu.memref_slice %arg12[%add3A_70, %dma_start3A_159, %dma_start3A_160] : memref<64x2x16xf32, #tpu.memory_space<vmem_shared>> -> memref<1x2x16xf32, #tpu.memory_space<vmem_shared>>
      %dma_start3A_162 = tpu.memref_squeeze %dma_start3A_161 : memref<1x2x16xf32, #tpu.memory_space<vmem_shared>> -> memref<2x16xf32, #tpu.memory_space<vmem_shared>>
      tpu.enqueue_dma source(%arg10 : memref<2x16xf32, #tpu.memory_space<vmem>>) target(%dma_start3A_162 : memref<2x16xf32, #tpu.memory_space<vmem_shared>>) target_semaphore(%run_scoped3A : memref<!tpu.dma_semaphore, #tpu.memory_space<semaphore_mem>>)
      %dma_wait3A = arith.constant 0 : i32
      %dma_wait3A_163 = arith.constant 0 : i32
      %dma_wait3A_164 = tpu.memref_slice %arg12[%add3A_70, %dma_wait3A, %dma_wait3A_163] : memref<64x2x16xf32, #tpu.memory_space<vmem_shared>> -> memref<1x2x16xf32, #tpu.memory_space<vmem_shared>>
      %dma_wait3A_165 = tpu.memref_squeeze %dma_wait3A_164 : memref<1x2x16xf32, #tpu.memory_space<vmem_shared>> -> memref<2x16xf32, #tpu.memory_space<vmem_shared>>
      %dma_wait3A_166 = arith.constant 0 : i32
      %dma_wait3A_167 = arith.constant 0 : i32
      %dma_wait3A_168 = tpu.memref_slice %arg12[%add3A_70, %dma_wait3A_166, %dma_wait3A_167] : memref<64x2x16xf32, #tpu.memory_space<vmem_shared>> -> memref<1x2x16xf32, #tpu.memory_space<vmem_shared>>
      %dma_wait3A_169 = tpu.memref_squeeze %dma_wait3A_168 : memref<1x2x16xf32, #tpu.memory_space<vmem_shared>> -> memref<2x16xf32, #tpu.memory_space<vmem_shared>>
      tpu.wait_dma2 semaphore(%run_scoped3A : memref<!tpu.dma_semaphore, #tpu.memory_space<semaphore_mem>>) src(%arg10 : memref<2x16xf32, #tpu.memory_space<vmem>>) dst(%dma_wait3A_169 : memref<2x16xf32, #tpu.memory_space<vmem_shared>>)
      tpu.yield
    }) : () -> ()
    %barrier3A = arith.constant 0 : index
    tpu.barrier barrier_id(%barrier3A)
    %mul3A_71 = arith.constant 4 : i32
    %mul3A_72 = arith.muli %select_n3A, %mul3A_71 : i32
    %add3A_73 = arith.constant 32 : i32
    %add3A_74 = arith.addi %add3A_73, %mul3A_72 : i32
    "tpu.region"() ({
      %run_scoped3A = tpu.sem_alloc : memref<!tpu.dma_semaphore, #tpu.memory_space<semaphore_mem>>
      %dma_start3A = arith.constant 0 : i32
      %dma_start3A_156 = arith.constant 0 : i32
      %dma_start3A_157 = tpu.memref_slice %arg12[%add3A_74, %dma_start3A, %dma_start3A_156] : memref<64x2x16xf32, #tpu.memory_space<vmem_shared>> -> memref<4x2x16xf32, #tpu.memory_space<vmem_shared>>
      %dma_start3A_158 = arith.constant 0 : i32
      %dma_start3A_159 = arith.constant 0 : i32
      %dma_start3A_160 = tpu.memref_slice %arg12[%add3A_74, %dma_start3A_158, %dma_start3A_159] : memref<64x2x16xf32, #tpu.memory_space<vmem_shared>> -> memref<4x2x16xf32, #tpu.memory_space<vmem_shared>>
      tpu.enqueue_dma source(%dma_start3A_160 : memref<4x2x16xf32, #tpu.memory_space<vmem_shared>>) target(%arg11 : memref<4x2x16xf32, #tpu.memory_space<vmem>>) target_semaphore(%run_scoped3A : memref<!tpu.dma_semaphore, #tpu.memory_space<semaphore_mem>>)
      %dma_wait3A = arith.constant 0 : i32
      %dma_wait3A_161 = arith.constant 0 : i32
      %dma_wait3A_162 = tpu.memref_slice %arg12[%add3A_74, %dma_wait3A, %dma_wait3A_161] : memref<64x2x16xf32, #tpu.memory_space<vmem_shared>> -> memref<4x2x16xf32, #tpu.memory_space<vmem_shared>>
      %dma_wait3A_163 = arith.constant 0 : i32
      %dma_wait3A_164 = arith.constant 0 : i32
      %dma_wait3A_165 = tpu.memref_slice %arg12[%add3A_74, %dma_wait3A_163, %dma_wait3A_164] : memref<64x2x16xf32, #tpu.memory_space<vmem_shared>> -> memref<4x2x16xf32, #tpu.memory_space<vmem_shared>>
      tpu.wait_dma2 semaphore(%run_scoped3A : memref<!tpu.dma_semaphore, #tpu.memory_space<semaphore_mem>>) src(%dma_wait3A_165 : memref<4x2x16xf32, #tpu.memory_space<vmem_shared>>) dst(%arg11 : memref<4x2x16xf32, #tpu.memory_space<vmem>>)
      tpu.yield
    }) : () -> ()
    %get3A = arith.constant 0 : i32
    %get3A_75 = arith.constant 0 : i32
    %get3A_76 = arith.index_cast %get3A : i32 to index
    %get3A_77 = arith.index_cast %get3A_75 : i32 to index
    %get3A_78 = arith.constant 0 : index
    %get3A_79 = tpu.vector_load %arg11[%get3A_76, %get3A_77, %get3A_78] {strides = array<i32>} : memref<4x2x16xf32, #tpu.memory_space<vmem>>, vector<16xf32>,
    %get3A_80 = arith.constant 0 : i32
    %get3A_81 = arith.constant 1 : i32
    %get3A_82 = arith.index_cast %get3A_80 : i32 to index
    %get3A_83 = arith.index_cast %get3A_81 : i32 to index
    %get3A_84 = arith.constant 0 : index
    %get3A_85 = tpu.vector_load %arg11[%get3A_82, %get3A_83, %get3A_84] {strides = array<i32>} : memref<4x2x16xf32, #tpu.memory_space<vmem>>, vector<16xf32>,
    %bitcast3A_86 = vector.bitcast %get3A_85 : vector<16xf32> to vector<16xi32>
    %get3A_87 = arith.constant 1 : i32
    %get3A_88 = arith.constant 0 : i32
    %get3A_89 = arith.index_cast %get3A_87 : i32 to index
    %get3A_90 = arith.index_cast %get3A_88 : i32 to index
    %get3A_91 = arith.constant 0 : index
    %get3A_92 = tpu.vector_load %arg11[%get3A_89, %get3A_90, %get3A_91] {strides = array<i32>} : memref<4x2x16xf32, #tpu.memory_space<vmem>>, vector<16xf32>,
    %get3A_93 = arith.constant 1 : i32
    %get3A_94 = arith.constant 1 : i32
    %get3A_95 = arith.index_cast %get3A_93 : i32 to index
    %get3A_96 = arith.index_cast %get3A_94 : i32 to index
    %get3A_97 = arith.constant 0 : index
    %get3A_98 = tpu.vector_load %arg11[%get3A_95, %get3A_96, %get3A_97] {strides = array<i32>} : memref<4x2x16xf32, #tpu.memory_space<vmem>>, vector<16xf32>,
    %bitcast3A_99 = vector.bitcast %get3A_98 : vector<16xf32> to vector<16xi32>
    %get3A_100 = arith.constant 2 : i32
    %get3A_101 = arith.constant 0 : i32
    %get3A_102 = arith.index_cast %get3A_100 : i32 to index
    %get3A_103 = arith.index_cast %get3A_101 : i32 to index
    %get3A_104 = arith.constant 0 : index
    %get3A_105 = tpu.vector_load %arg11[%get3A_102, %get3A_103, %get3A_104] {strides = array<i32>} : memref<4x2x16xf32, #tpu.memory_space<vmem>>, vector<16xf32>,
    %get3A_106 = arith.constant 2 : i32
    %get3A_107 = arith.constant 1 : i32
    %get3A_108 = arith.index_cast %get3A_106 : i32 to index
    %get3A_109 = arith.index_cast %get3A_107 : i32 to index
    %get3A_110 = arith.constant 0 : index
    %get3A_111 = tpu.vector_load %arg11[%get3A_108, %get3A_109, %get3A_110] {strides = array<i32>} : memref<4x2x16xf32, #tpu.memory_space<vmem>>, vector<16xf32>,
    %bitcast3A_112 = vector.bitcast %get3A_111 : vector<16xf32> to vector<16xi32>
    %get3A_113 = arith.constant 3 : i32
    %get3A_114 = arith.constant 0 : i32
    %get3A_115 = arith.index_cast %get3A_113 : i32 to index
    %get3A_116 = arith.index_cast %get3A_114 : i32 to index
    %get3A_117 = arith.constant 0 : index
    %get3A_118 = tpu.vector_load %arg11[%get3A_115, %get3A_116, %get3A_117] {strides = array<i32>} : memref<4x2x16xf32, #tpu.memory_space<vmem>>, vector<16xf32>,
    %get3A_119 = arith.constant 3 : i32
    %get3A_120 = arith.constant 1 : i32
    %get3A_121 = arith.index_cast %get3A_119 : i32 to index
    %get3A_122 = arith.index_cast %get3A_120 : i32 to index
    %get3A_123 = arith.constant 0 : index
    %get3A_124 = tpu.vector_load %arg11[%get3A_121, %get3A_122, %get3A_123] {strides = array<i32>} : memref<4x2x16xf32, #tpu.memory_space<vmem>>, vector<16xf32>,
    %bitcast3A_125 = vector.bitcast %get3A_124 : vector<16xf32> to vector<16xi32>
    %max3A = arith.maximumf %get3A_79, %get3A_92 : vector<16xf32>
    %max3A_126 = arith.maximumf %get3A_105, %get3A_118 : vector<16xf32>
    %max3A_127 = arith.maximumf %max3A, %max3A_126 : vector<16xf32>
    %eq3A_128 = arith.cmpf oeq, %get3A_79, %max3A_127 : vector<16xf32>
    %eq3A_129 = arith.cmpf oeq, %get3A_92, %max3A_127 : vector<16xf32>
    %eq3A_130 = arith.cmpf oeq, %get3A_105, %max3A_127 : vector<16xf32>
    %select_n3A_131 = arith.select %eq3A_130, %bitcast3A_112, %bitcast3A_125 : vector<16xi1>, vector<16xi32>
    %select_n3A_132 = arith.select %eq3A_129, %bitcast3A_99, %select_n3A_131 : vector<16xi1>, vector<16xi32>
    %select_n3A_133 = arith.select %eq3A_128, %bitcast3A_86, %select_n3A_132 : vector<16xi1>, vector<16xi32>
    %max3A_134 = arith.constant 0 : i32
    %max3A_135 = vector.broadcast %max3A_134 : i32 to vector<16xi32>
    %max3A_136 = arith.maxsi %select_n3A_133, %max3A_135 : vector<16xi32>
    %min3A = arith.constant 4095 : i32
    %min3A_137 = vector.broadcast %min3A : i32 to vector<16xi32>
    %min3A_138 = arith.minsi %max3A_136, %min3A_137 : vector<16xi32>
    %scan3A = arith.constant 0 : i32
    %scan3A_139 = arith.constant 256 : i32
    %scan3A_140 = arith.addi %scan3A, %scan3A_139 : i32
    %scan3A_141 = arith.constant 1 : i32
    %scan3A_142 = scf.for %scan3A_156 = %scan3A to %scan3A_140 step %scan3A_141 iter_args(%scan3A_157 = %min3A_138) -> (vector<16xi32>)  : i32 {
      %mul3A_158 = arith.constant 2 : i32
      %mul3A_159 = arith.muli %mul3A_158, %scan3A_156 : i32
      %iota3A_160 = tpu.iota {dimensions = array<i32: 0>} : vector<16xi32>
      %eq3A_161 = arith.constant 0 : i32
      %eq3A_162 = vector.broadcast %eq3A_161 : i32 to vector<16xi32>
      %eq3A_163 = arith.cmpi eq, %iota3A_160, %eq3A_162 : vector<16xi32>
      %broadcast_in_dim3A_164 = vector.broadcast %mul3A_159 : i32 to vector<16xi32>
      tpu.vector_store_idx %arg6[%broadcast_in_dim3A_164], %scan3A_157 masked %eq3A_163 : memref<512xi32, #tpu.memory_space<vmem>>[vector<16xi32>], vector<16xi32>, vector<16xi1>
      %gather3A = tpu.vector_load_idx %arg4[%broadcast_in_dim3A_33, %scan3A_157] : memref<3x4096xf32, #tpu.memory_space<vmem>>[vector<16xi32>, vector<16xi32>], vector<16xf32>,
      %gather3A_165 = tpu.vector_load_idx %arg4[%broadcast_in_dim3A_35, %scan3A_157] : memref<3x4096xf32, #tpu.memory_space<vmem>>[vector<16xi32>, vector<16xi32>], vector<16xf32>,
      %gather3A_166 = tpu.vector_load_idx %arg4[%broadcast_in_dim3A_37, %scan3A_157] : memref<3x4096xf32, #tpu.memory_space<vmem>>[vector<16xi32>, vector<16xi32>], vector<16xf32>,
      %broadcast_in_dim3A_167 = arith.constant -1.000000e+00 : f32
      %broadcast_in_dim3A_168 = vector.broadcast %broadcast_in_dim3A_167 : f32 to vector<16xf32>
      %broadcast_in_dim3A_169 = arith.constant 0 : i32
      %broadcast_in_dim3A_170 = vector.broadcast %broadcast_in_dim3A_169 : i32 to vector<16xi32>
      %parallel_loop3A_171 = arith.constant 0 : i32
      %parallel_loop3A_172 = arith.constant 64 : i32
      %parallel_loop3A_173 = arith.constant 1 : i32
      %parallel_loop3A_174:2 = scf.for %parallel_loop3A_411 = %parallel_loop3A_171 to %parallel_loop3A_172 step %parallel_loop3A_173 iter_args(%parallel_loop3A_412 = %broadcast_in_dim3A_168, %parallel_loop3A_413 = %broadcast_in_dim3A_170) -> (vector<16xf32>, vector<16xi32>)  : i32 {
        %parallel_loop3A_414 = arith.constant 16 : i32
        %parallel_loop3A_415 = arith.muli %parallel_loop3A_411, %parallel_loop3A_414 : i32
        %parallel_loop3A_416 = arith.addi %mul3A_32, %parallel_loop3A_415 : i32
        %parallel_loop3A_417 = arith.constant 0 : i32
        %parallel_loop3A_418 = arith.index_cast %parallel_loop3A_417 : i32 to index
        %parallel_loop3A_419 = arith.index_cast %parallel_loop3A_416 : i32 to index
        %parallel_loop3A_420 = tpu.vector_load %arg4[%parallel_loop3A_418, %parallel_loop3A_419] {strides = array<i32>} : memref<3x4096xf32, #tpu.memory_space<vmem>>, vector<16xf32>,
        %parallel_loop3A_421 = arith.constant 1 : i32
        %parallel_loop3A_422 = arith.index_cast %parallel_loop3A_421 : i32 to index
        %parallel_loop3A_423 = arith.index_cast %parallel_loop3A_416 : i32 to index
        %parallel_loop3A_424 = tpu.vector_load %arg4[%parallel_loop3A_422, %parallel_loop3A_423] {strides = array<i32>} : memref<3x4096xf32, #tpu.memory_space<vmem>>, vector<16xf32>,
        %parallel_loop3A_425 = arith.constant 2 : i32
        %parallel_loop3A_426 = arith.index_cast %parallel_loop3A_425 : i32 to index
        %parallel_loop3A_427 = arith.index_cast %parallel_loop3A_416 : i32 to index
        %parallel_loop3A_428 = tpu.vector_load %arg4[%parallel_loop3A_426, %parallel_loop3A_427] {strides = array<i32>} : memref<3x4096xf32, #tpu.memory_space<vmem>>, vector<16xf32>,
        %parallel_loop3A_429 = arith.subf %parallel_loop3A_420, %gather3A : vector<16xf32>
        %parallel_loop3A_430 = arith.subf %parallel_loop3A_424, %gather3A_165 : vector<16xf32>
        %parallel_loop3A_431 = arith.subf %parallel_loop3A_428, %gather3A_166 : vector<16xf32>
        %parallel_loop3A_432 = arith.mulf %parallel_loop3A_429, %parallel_loop3A_429 : vector<16xf32>
        %parallel_loop3A_433 = arith.mulf %parallel_loop3A_430, %parallel_loop3A_430 : vector<16xf32>
        %parallel_loop3A_434 = arith.addf %parallel_loop3A_432, %parallel_loop3A_433 : vector<16xf32>
        %parallel_loop3A_435 = arith.mulf %parallel_loop3A_431, %parallel_loop3A_431 : vector<16xf32>
        %parallel_loop3A_436 = arith.addf %parallel_loop3A_434, %parallel_loop3A_435 : vector<16xf32>
        %parallel_loop3A_437 = arith.index_cast %parallel_loop3A_415 : i32 to index
        %parallel_loop3A_438 = tpu.vector_load %arg5[%parallel_loop3A_437] {strides = array<i32>} : memref<1024xf32, #tpu.memory_space<vmem>>, vector<16xf32>,
        %parallel_loop3A_439 = arith.minimumf %parallel_loop3A_436, %parallel_loop3A_438 : vector<16xf32>
        %parallel_loop3A_440 = arith.index_cast %parallel_loop3A_415 : i32 to index
        %parallel_loop3A_441 = tpu.vector_load %arg5[%parallel_loop3A_440] {strides = array<i32>} : memref<1024xf32, #tpu.memory_space<vmem>>, vector<16xf32>,
        tpu.vector_store %arg5[%parallel_loop3A_440], %parallel_loop3A_439 {strides = array<i32>} : memref<1024xf32, #tpu.memory_space<vmem>>, vector<16xf32>,
        %parallel_loop3A_442 = arith.cmpf ogt, %parallel_loop3A_439, %parallel_loop3A_412 : vector<16xf32>
        %parallel_loop3A_443 = arith.select %parallel_loop3A_442, %parallel_loop3A_439, %parallel_loop3A_412 : vector<16xi1>, vector<16xf32>
        %parallel_loop3A_444 = vector.broadcast %parallel_loop3A_411 : i32 to vector<16xi32>
        %parallel_loop3A_445 = arith.select %parallel_loop3A_442, %parallel_loop3A_444, %parallel_loop3A_413 : vector<16xi1>, vector<16xi32>
        scf.yield %parallel_loop3A_443, %parallel_loop3A_445 : vector<16xf32>, vector<16xi32>
      } {sc.loop_unroll_factor = 8 : i64, sc.parallel_access}
      %mul3A_175 = arith.constant 16 : i32
      %mul3A_176 = vector.broadcast %mul3A_175 : i32 to vector<16xi32>
      %mul3A_177 = arith.muli %parallel_loop3A_174#1, %mul3A_176 : vector<16xi32>
      %add3A_178 = vector.broadcast %mul3A_32 : i32 to vector<16xi32>
      %add3A_179 = arith.addi %add3A_178, %mul3A_177 : vector<16xi32>
      %add3A_180 = arith.addi %add3A_179, %iota3A : vector<16xi32>
      %reduce_max3A_181 = arith.constant true
      %reduce_max3A_182 = vector.broadcast %reduce_max3A_181 : i1 to vector<16xi1>
      %reduce_max3A_183 = tpu.scan <max>, %parallel_loop3A_174#0 masked %reduce_max3A_182 : vector<16xf32>, vector<16xi1> -> vector<16xf32>
      %reduce_max3A_184 = vector.extract %reduce_max3A_183[15] : f32 from vector<16xf32>
      %eq3A_185 = vector.broadcast %reduce_max3A_184 : f32 to vector<16xf32>
      %eq3A_186 = arith.cmpf oeq, %parallel_loop3A_174#0, %eq3A_185 : vector<16xf32>
      %jit3A_187 = arith.constant 1073741824 : i32
      %broadcast_in_dim3A_188 = vector.broadcast %jit3A_187 : i32 to vector<16xi32>
      %select_n3A_189 = arith.select %eq3A_186, %add3A_180, %broadcast_in_dim3A_188 : vector<16xi1>, vector<16xi32>
      %reduce_min3A_190 = arith.constant true
      %reduce_min3A_191 = vector.broadcast %reduce_min3A_190 : i1 to vector<16xi1>
      %reduce_min3A_192 = arith.constant -2147483648 : i32
      %reduce_min3A_193 = vector.broadcast %reduce_min3A_192 : i32 to vector<16xi32>
      %reduce_min3A_194 = arith.xori %select_n3A_189, %reduce_min3A_193 : vector<16xi32>
      %reduce_min3A_195 = tpu.scan <min>, %reduce_min3A_194 masked %reduce_min3A_191 : vector<16xi32>, vector<16xi1> -> vector<16xi32>
      %reduce_min3A_196 = arith.xori %reduce_min3A_195, %reduce_min3A_193 : vector<16xi32>
      %reduce_min3A_197 = vector.extract %reduce_min3A_196[15] : i32 from vector<16xi32>
      %broadcast_in_dim3A_198 = vector.broadcast %reduce_max3A_184 : f32 to vector<16xf32>
      %swap3A_199 = arith.constant 0 : i32
      %swap3A_200 = arith.index_cast %swap3A_199 : i32 to index
      %swap3A_201 = arith.constant 0 : index
      %swap3A_202 = tpu.vector_load %arg10[%swap3A_200, %swap3A_201] {strides = array<i32>} : memref<2x16xf32, #tpu.memory_space<vmem>>, vector<16xf32>,
      tpu.vector_store %arg10[%swap3A_200, %swap3A_201], %broadcast_in_dim3A_198 {strides = array<i32>} : memref<2x16xf32, #tpu.memory_space<vmem>>, vector<16xf32>,
      %broadcast_in_dim3A_203 = vector.broadcast %reduce_min3A_197 : i32 to vector<16xi32>
      %bitcast3A_204 = vector.bitcast %broadcast_in_dim3A_203 : vector<16xi32> to vector<16xf32>
      %swap3A_205 = arith.constant 1 : i32
      %swap3A_206 = arith.index_cast %swap3A_205 : i32 to index
      %swap3A_207 = arith.constant 0 : index
      %swap3A_208 = tpu.vector_load %arg10[%swap3A_206, %swap3A_207] {strides = array<i32>} : memref<2x16xf32, #tpu.memory_space<vmem>>, vector<16xf32>,
      tpu.vector_store %arg10[%swap3A_206, %swap3A_207], %bitcast3A_204 {strides = array<i32>} : memref<2x16xf32, #tpu.memory_space<vmem>>, vector<16xf32>,
      %add3A_209 = arith.constant 48 : i32
      %add3A_210 = arith.addi %add3A_209, %arg1 : i32
      "tpu.region"() ({
        %run_scoped3A = tpu.sem_alloc : memref<!tpu.dma_semaphore, #tpu.memory_space<semaphore_mem>>
        %dma_start3A = arith.constant 0 : i32
        %dma_start3A_411 = arith.constant 0 : i32
        %dma_start3A_412 = tpu.memref_slice %arg12[%add3A_210, %dma_start3A, %dma_start3A_411] : memref<64x2x16xf32, #tpu.memory_space<vmem_shared>> -> memref<1x2x16xf32, #tpu.memory_space<vmem_shared>>
        %dma_start3A_413 = tpu.memref_squeeze %dma_start3A_412 : memref<1x2x16xf32, #tpu.memory_space<vmem_shared>> -> memref<2x16xf32, #tpu.memory_space<vmem_shared>>
        %dma_start3A_414 = arith.constant 0 : i32
        %dma_start3A_415 = arith.constant 0 : i32
        %dma_start3A_416 = tpu.memref_slice %arg12[%add3A_210, %dma_start3A_414, %dma_start3A_415] : memref<64x2x16xf32, #tpu.memory_space<vmem_shared>> -> memref<1x2x16xf32, #tpu.memory_space<vmem_shared>>
        %dma_start3A_417 = tpu.memref_squeeze %dma_start3A_416 : memref<1x2x16xf32, #tpu.memory_space<vmem_shared>> -> memref<2x16xf32, #tpu.memory_space<vmem_shared>>
        tpu.enqueue_dma source(%arg10 : memref<2x16xf32, #tpu.memory_space<vmem>>) target(%dma_start3A_417 : memref<2x16xf32, #tpu.memory_space<vmem_shared>>) target_semaphore(%run_scoped3A : memref<!tpu.dma_semaphore, #tpu.memory_space<semaphore_mem>>)
        %dma_wait3A = arith.constant 0 : i32
        %dma_wait3A_418 = arith.constant 0 : i32
        %dma_wait3A_419 = tpu.memref_slice %arg12[%add3A_210, %dma_wait3A, %dma_wait3A_418] : memref<64x2x16xf32, #tpu.memory_space<vmem_shared>> -> memref<1x2x16xf32, #tpu.memory_space<vmem_shared>>
        %dma_wait3A_420 = tpu.memref_squeeze %dma_wait3A_419 : memref<1x2x16xf32, #tpu.memory_space<vmem_shared>> -> memref<2x16xf32, #tpu.memory_space<vmem_shared>>
        %dma_wait3A_421 = arith.constant 0 : i32
        %dma_wait3A_422 = arith.constant 0 : i32
        %dma_wait3A_423 = tpu.memref_slice %arg12[%add3A_210, %dma_wait3A_421, %dma_wait3A_422] : memref<64x2x16xf32, #tpu.memory_space<vmem_shared>> -> memref<1x2x16xf32, #tpu.memory_space<vmem_shared>>
        %dma_wait3A_424 = tpu.memref_squeeze %dma_wait3A_423 : memref<1x2x16xf32, #tpu.memory_space<vmem_shared>> -> memref<2x16xf32, #tpu.memory_space<vmem_shared>>
        tpu.wait_dma2 semaphore(%run_scoped3A : memref<!tpu.dma_semaphore, #tpu.memory_space<semaphore_mem>>) src(%arg10 : memref<2x16xf32, #tpu.memory_space<vmem>>) dst(%dma_wait3A_424 : memref<2x16xf32, #tpu.memory_space<vmem_shared>>)
        tpu.yield
      }) : () -> ()
      %barrier3A_211 = arith.constant 0 : index
      tpu.barrier barrier_id(%barrier3A_211)
      %mul3A_212 = arith.constant 4 : i32
      %mul3A_213 = arith.muli %select_n3A, %mul3A_212 : i32
      %add3A_214 = arith.constant 48 : i32
      %add3A_215 = arith.addi %add3A_214, %mul3A_213 : i32
      "tpu.region"() ({
        %run_scoped3A = tpu.sem_alloc : memref<!tpu.dma_semaphore, #tpu.memory_space<semaphore_mem>>
        %dma_start3A = arith.constant 0 : i32
        %dma_start3A_411 = arith.constant 0 : i32
        %dma_start3A_412 = tpu.memref_slice %arg12[%add3A_215, %dma_start3A, %dma_start3A_411] : memref<64x2x16xf32, #tpu.memory_space<vmem_shared>> -> memref<4x2x16xf32, #tpu.memory_space<vmem_shared>>
        %dma_start3A_413 = arith.constant 0 : i32
        %dma_start3A_414 = arith.constant 0 : i32
        %dma_start3A_415 = tpu.memref_slice %arg12[%add3A_215, %dma_start3A_413, %dma_start3A_414] : memref<64x2x16xf32, #tpu.memory_space<vmem_shared>> -> memref<4x2x16xf32, #tpu.memory_space<vmem_shared>>
        tpu.enqueue_dma source(%dma_start3A_415 : memref<4x2x16xf32, #tpu.memory_space<vmem_shared>>) target(%arg11 : memref<4x2x16xf32, #tpu.memory_space<vmem>>) target_semaphore(%run_scoped3A : memref<!tpu.dma_semaphore, #tpu.memory_space<semaphore_mem>>)
        %dma_wait3A = arith.constant 0 : i32
        %dma_wait3A_416 = arith.constant 0 : i32
        %dma_wait3A_417 = tpu.memref_slice %arg12[%add3A_215, %dma_wait3A, %dma_wait3A_416] : memref<64x2x16xf32, #tpu.memory_space<vmem_shared>> -> memref<4x2x16xf32, #tpu.memory_space<vmem_shared>>
        %dma_wait3A_418 = arith.constant 0 : i32
        %dma_wait3A_419 = arith.constant 0 : i32
        %dma_wait3A_420 = tpu.memref_slice %arg12[%add3A_215, %dma_wait3A_418, %dma_wait3A_419] : memref<64x2x16xf32, #tpu.memory_space<vmem_shared>> -> memref<4x2x16xf32, #tpu.memory_space<vmem_shared>>
        tpu.wait_dma2 semaphore(%run_scoped3A : memref<!tpu.dma_semaphore, #tpu.memory_space<semaphore_mem>>) src(%dma_wait3A_420 : memref<4x2x16xf32, #tpu.memory_space<vmem_shared>>) dst(%arg11 : memref<4x2x16xf32, #tpu.memory_space<vmem>>)
        tpu.yield
      }) : () -> ()
      %get3A_216 = arith.constant 0 : i32
      %get3A_217 = arith.constant 0 : i32
      %get3A_218 = arith.index_cast %get3A_216 : i32 to index
      %get3A_219 = arith.index_cast %get3A_217 : i32 to index
      %get3A_220 = arith.constant 0 : index
      %get3A_221 = tpu.vector_load %arg11[%get3A_218, %get3A_219, %get3A_220] {strides = array<i32>} : memref<4x2x16xf32, #tpu.memory_space<vmem>>, vector<16xf32>,
      %get3A_222 = arith.constant 0 : i32
      %get3A_223 = arith.constant 1 : i32
      %get3A_224 = arith.index_cast %get3A_222 : i32 to index
      %get3A_225 = arith.index_cast %get3A_223 : i32 to index
      %get3A_226 = arith.constant 0 : index
      %get3A_227 = tpu.vector_load %arg11[%get3A_224, %get3A_225, %get3A_226] {strides = array<i32>} : memref<4x2x16xf32, #tpu.memory_space<vmem>>, vector<16xf32>,
      %bitcast3A_228 = vector.bitcast %get3A_227 : vector<16xf32> to vector<16xi32>
      %get3A_229 = arith.constant 1 : i32
      %get3A_230 = arith.constant 0 : i32
      %get3A_231 = arith.index_cast %get3A_229 : i32 to index
      %get3A_232 = arith.index_cast %get3A_230 : i32 to index
      %get3A_233 = arith.constant 0 : index
      %get3A_234 = tpu.vector_load %arg11[%get3A_231, %get3A_232, %get3A_233] {strides = array<i32>} : memref<4x2x16xf32, #tpu.memory_space<vmem>>, vector<16xf32>,
      %get3A_235 = arith.constant 1 : i32
      %get3A_236 = arith.constant 1 : i32
      %get3A_237 = arith.index_cast %get3A_235 : i32 to index
      %get3A_238 = arith.index_cast %get3A_236 : i32 to index
      %get3A_239 = arith.constant 0 : index
      %get3A_240 = tpu.vector_load %arg11[%get3A_237, %get3A_238, %get3A_239] {strides = array<i32>} : memref<4x2x16xf32, #tpu.memory_space<vmem>>, vector<16xf32>,
      %bitcast3A_241 = vector.bitcast %get3A_240 : vector<16xf32> to vector<16xi32>
      %get3A_242 = arith.constant 2 : i32
      %get3A_243 = arith.constant 0 : i32
      %get3A_244 = arith.index_cast %get3A_242 : i32 to index
      %get3A_245 = arith.index_cast %get3A_243 : i32 to index
      %get3A_246 = arith.constant 0 : index
      %get3A_247 = tpu.vector_load %arg11[%get3A_244, %get3A_245, %get3A_246] {strides = array<i32>} : memref<4x2x16xf32, #tpu.memory_space<vmem>>, vector<16xf32>,
      %get3A_248 = arith.constant 2 : i32
      %get3A_249 = arith.constant 1 : i32
      %get3A_250 = arith.index_cast %get3A_248 : i32 to index
      %get3A_251 = arith.index_cast %get3A_249 : i32 to index
      %get3A_252 = arith.constant 0 : index
      %get3A_253 = tpu.vector_load %arg11[%get3A_250, %get3A_251, %get3A_252] {strides = array<i32>} : memref<4x2x16xf32, #tpu.memory_space<vmem>>, vector<16xf32>,
      %bitcast3A_254 = vector.bitcast %get3A_253 : vector<16xf32> to vector<16xi32>
      %get3A_255 = arith.constant 3 : i32
      %get3A_256 = arith.constant 0 : i32
      %get3A_257 = arith.index_cast %get3A_255 : i32 to index
      %get3A_258 = arith.index_cast %get3A_256 : i32 to index
      %get3A_259 = arith.constant 0 : index
      %get3A_260 = tpu.vector_load %arg11[%get3A_257, %get3A_258, %get3A_259] {strides = array<i32>} : memref<4x2x16xf32, #tpu.memory_space<vmem>>, vector<16xf32>,
      %get3A_261 = arith.constant 3 : i32
      %get3A_262 = arith.constant 1 : i32
      %get3A_263 = arith.index_cast %get3A_261 : i32 to index
      %get3A_264 = arith.index_cast %get3A_262 : i32 to index
      %get3A_265 = arith.constant 0 : index
      %get3A_266 = tpu.vector_load %arg11[%get3A_263, %get3A_264, %get3A_265] {strides = array<i32>} : memref<4x2x16xf32, #tpu.memory_space<vmem>>, vector<16xf32>,
      %bitcast3A_267 = vector.bitcast %get3A_266 : vector<16xf32> to vector<16xi32>
      %max3A_268 = arith.maximumf %get3A_221, %get3A_234 : vector<16xf32>
      %max3A_269 = arith.maximumf %get3A_247, %get3A_260 : vector<16xf32>
      %max3A_270 = arith.maximumf %max3A_268, %max3A_269 : vector<16xf32>
      %eq3A_271 = arith.cmpf oeq, %get3A_221, %max3A_270 : vector<16xf32>
      %eq3A_272 = arith.cmpf oeq, %get3A_234, %max3A_270 : vector<16xf32>
      %eq3A_273 = arith.cmpf oeq, %get3A_247, %max3A_270 : vector<16xf32>
      %select_n3A_274 = arith.select %eq3A_273, %bitcast3A_254, %bitcast3A_267 : vector<16xi1>, vector<16xi32>
      %select_n3A_275 = arith.select %eq3A_272, %bitcast3A_241, %select_n3A_274 : vector<16xi1>, vector<16xi32>
      %select_n3A_276 = arith.select %eq3A_271, %bitcast3A_228, %select_n3A_275 : vector<16xi1>, vector<16xi32>
      %max3A_277 = arith.constant 0 : i32
      %max3A_278 = vector.broadcast %max3A_277 : i32 to vector<16xi32>
      %max3A_279 = arith.maxsi %select_n3A_276, %max3A_278 : vector<16xi32>
      %min3A_280 = arith.constant 4095 : i32
      %min3A_281 = vector.broadcast %min3A_280 : i32 to vector<16xi32>
      %min3A_282 = arith.minsi %max3A_279, %min3A_281 : vector<16xi32>
      %mul3A_283 = arith.constant 2 : i32
      %mul3A_284 = arith.muli %mul3A_283, %scan3A_156 : i32
      %add3A_285 = arith.constant 1 : i32
      %add3A_286 = arith.addi %mul3A_284, %add3A_285 : i32
      %iota3A_287 = tpu.iota {dimensions = array<i32: 0>} : vector<16xi32>
      %eq3A_288 = arith.constant 0 : i32
      %eq3A_289 = vector.broadcast %eq3A_288 : i32 to vector<16xi32>
      %eq3A_290 = arith.cmpi eq, %iota3A_287, %eq3A_289 : vector<16xi32>
      %broadcast_in_dim3A_291 = vector.broadcast %add3A_286 : i32 to vector<16xi32>
      tpu.vector_store_idx %arg6[%broadcast_in_dim3A_291], %min3A_282 masked %eq3A_290 : memref<512xi32, #tpu.memory_space<vmem>>[vector<16xi32>], vector<16xi32>, vector<16xi1>
      %gather3A_292 = tpu.vector_load_idx %arg4[%broadcast_in_dim3A_33, %min3A_282] : memref<3x4096xf32, #tpu.memory_space<vmem>>[vector<16xi32>, vector<16xi32>], vector<16xf32>,
      %gather3A_293 = tpu.vector_load_idx %arg4[%broadcast_in_dim3A_35, %min3A_282] : memref<3x4096xf32, #tpu.memory_space<vmem>>[vector<16xi32>, vector<16xi32>], vector<16xf32>,
      %gather3A_294 = tpu.vector_load_idx %arg4[%broadcast_in_dim3A_37, %min3A_282] : memref<3x4096xf32, #tpu.memory_space<vmem>>[vector<16xi32>, vector<16xi32>], vector<16xf32>,
      %broadcast_in_dim3A_295 = arith.constant -1.000000e+00 : f32
      %broadcast_in_dim3A_296 = vector.broadcast %broadcast_in_dim3A_295 : f32 to vector<16xf32>
      %broadcast_in_dim3A_297 = arith.constant 0 : i32
      %broadcast_in_dim3A_298 = vector.broadcast %broadcast_in_dim3A_297 : i32 to vector<16xi32>
      %parallel_loop3A_299 = arith.constant 0 : i32
      %parallel_loop3A_300 = arith.constant 64 : i32
      %parallel_loop3A_301 = arith.constant 1 : i32
      %parallel_loop3A_302:2 = scf.for %parallel_loop3A_411 = %parallel_loop3A_299 to %parallel_loop3A_300 step %parallel_loop3A_301 iter_args(%parallel_loop3A_412 = %broadcast_in_dim3A_296, %parallel_loop3A_413 = %broadcast_in_dim3A_298) -> (vector<16xf32>, vector<16xi32>)  : i32 {
        %parallel_loop3A_414 = arith.constant 16 : i32
        %parallel_loop3A_415 = arith.muli %parallel_loop3A_411, %parallel_loop3A_414 : i32
        %parallel_loop3A_416 = arith.addi %mul3A_32, %parallel_loop3A_415 : i32
        %parallel_loop3A_417 = arith.constant 0 : i32
        %parallel_loop3A_418 = arith.index_cast %parallel_loop3A_417 : i32 to index
        %parallel_loop3A_419 = arith.index_cast %parallel_loop3A_416 : i32 to index
        %parallel_loop3A_420 = tpu.vector_load %arg4[%parallel_loop3A_418, %parallel_loop3A_419] {strides = array<i32>} : memref<3x4096xf32, #tpu.memory_space<vmem>>, vector<16xf32>,
        %parallel_loop3A_421 = arith.constant 1 : i32
        %parallel_loop3A_422 = arith.index_cast %parallel_loop3A_421 : i32 to index
        %parallel_loop3A_423 = arith.index_cast %parallel_loop3A_416 : i32 to index
        %parallel_loop3A_424 = tpu.vector_load %arg4[%parallel_loop3A_422, %parallel_loop3A_423] {strides = array<i32>} : memref<3x4096xf32, #tpu.memory_space<vmem>>, vector<16xf32>,
        %parallel_loop3A_425 = arith.constant 2 : i32
        %parallel_loop3A_426 = arith.index_cast %parallel_loop3A_425 : i32 to index
        %parallel_loop3A_427 = arith.index_cast %parallel_loop3A_416 : i32 to index
        %parallel_loop3A_428 = tpu.vector_load %arg4[%parallel_loop3A_426, %parallel_loop3A_427] {strides = array<i32>} : memref<3x4096xf32, #tpu.memory_space<vmem>>, vector<16xf32>,
        %parallel_loop3A_429 = arith.subf %parallel_loop3A_420, %gather3A_292 : vector<16xf32>
        %parallel_loop3A_430 = arith.subf %parallel_loop3A_424, %gather3A_293 : vector<16xf32>
        %parallel_loop3A_431 = arith.subf %parallel_loop3A_428, %gather3A_294 : vector<16xf32>
        %parallel_loop3A_432 = arith.mulf %parallel_loop3A_429, %parallel_loop3A_429 : vector<16xf32>
        %parallel_loop3A_433 = arith.mulf %parallel_loop3A_430, %parallel_loop3A_430 : vector<16xf32>
        %parallel_loop3A_434 = arith.addf %parallel_loop3A_432, %parallel_loop3A_433 : vector<16xf32>
        %parallel_loop3A_435 = arith.mulf %parallel_loop3A_431, %parallel_loop3A_431 : vector<16xf32>
        %parallel_loop3A_436 = arith.addf %parallel_loop3A_434, %parallel_loop3A_435 : vector<16xf32>
        %parallel_loop3A_437 = arith.index_cast %parallel_loop3A_415 : i32 to index
        %parallel_loop3A_438 = tpu.vector_load %arg5[%parallel_loop3A_437] {strides = array<i32>} : memref<1024xf32, #tpu.memory_space<vmem>>, vector<16xf32>,
        %parallel_loop3A_439 = arith.minimumf %parallel_loop3A_436, %parallel_loop3A_438 : vector<16xf32>
        %parallel_loop3A_440 = arith.index_cast %parallel_loop3A_415 : i32 to index
        %parallel_loop3A_441 = tpu.vector_load %arg5[%parallel_loop3A_440] {strides = array<i32>} : memref<1024xf32, #tpu.memory_space<vmem>>, vector<16xf32>,
        tpu.vector_store %arg5[%parallel_loop3A_440], %parallel_loop3A_439 {strides = array<i32>} : memref<1024xf32, #tpu.memory_space<vmem>>, vector<16xf32>,
        %parallel_loop3A_442 = arith.cmpf ogt, %parallel_loop3A_439, %parallel_loop3A_412 : vector<16xf32>
        %parallel_loop3A_443 = arith.select %parallel_loop3A_442, %parallel_loop3A_439, %parallel_loop3A_412 : vector<16xi1>, vector<16xf32>
        %parallel_loop3A_444 = vector.broadcast %parallel_loop3A_411 : i32 to vector<16xi32>
        %parallel_loop3A_445 = arith.select %parallel_loop3A_442, %parallel_loop3A_444, %parallel_loop3A_413 : vector<16xi1>, vector<16xi32>
        scf.yield %parallel_loop3A_443, %parallel_loop3A_445 : vector<16xf32>, vector<16xi32>
      } {sc.loop_unroll_factor = 8 : i64, sc.parallel_access}
      %mul3A_303 = arith.constant 16 : i32
      %mul3A_304 = vector.broadcast %mul3A_303 : i32 to vector<16xi32>
      %mul3A_305 = arith.muli %parallel_loop3A_302#1, %mul3A_304 : vector<16xi32>
      %add3A_306 = vector.broadcast %mul3A_32 : i32 to vector<16xi32>
      %add3A_307 = arith.addi %add3A_306, %mul3A_305 : vector<16xi32>
      %add3A_308 = arith.addi %add3A_307, %iota3A : vector<16xi32>
      %reduce_max3A_309 = arith.constant true
      %reduce_max3A_310 = vector.broadcast %reduce_max3A_309 : i1 to vector<16xi1>
      %reduce_max3A_311 = tpu.scan <max>, %parallel_loop3A_302#0 masked %reduce_max3A_310 : vector<16xf32>, vector<16xi1> -> vector<16xf32>
      %reduce_max3A_312 = vector.extract %reduce_max3A_311[15] : f32 from vector<16xf32>
      %eq3A_313 = vector.broadcast %reduce_max3A_312 : f32 to vector<16xf32>
      %eq3A_314 = arith.cmpf oeq, %parallel_loop3A_302#0, %eq3A_313 : vector<16xf32>
      %jit3A_315 = arith.constant 1073741824 : i32
      %broadcast_in_dim3A_316 = vector.broadcast %jit3A_315 : i32 to vector<16xi32>
      %select_n3A_317 = arith.select %eq3A_314, %add3A_308, %broadcast_in_dim3A_316 : vector<16xi1>, vector<16xi32>
      %reduce_min3A_318 = arith.constant true
      %reduce_min3A_319 = vector.broadcast %reduce_min3A_318 : i1 to vector<16xi1>
      %reduce_min3A_320 = arith.constant -2147483648 : i32
      %reduce_min3A_321 = vector.broadcast %reduce_min3A_320 : i32 to vector<16xi32>
      %reduce_min3A_322 = arith.xori %select_n3A_317, %reduce_min3A_321 : vector<16xi32>
      %reduce_min3A_323 = tpu.scan <min>, %reduce_min3A_322 masked %reduce_min3A_319 : vector<16xi32>, vector<16xi1> -> vector<16xi32>
      %reduce_min3A_324 = arith.xori %reduce_min3A_323, %reduce_min3A_321 : vector<16xi32>
      %reduce_min3A_325 = vector.extract %reduce_min3A_324[15] : i32 from vector<16xi32>
      %broadcast_in_dim3A_326 = vector.broadcast %reduce_max3A_312 : f32 to vector<16xf32>
      %swap3A_327 = arith.constant 0 : i32
      %swap3A_328 = arith.index_cast %swap3A_327 : i32 to index
      %swap3A_329 = arith.constant 0 : index
      %swap3A_330 = tpu.vector_load %arg10[%swap3A_328, %swap3A_329] {strides = array<i32>} : memref<2x16xf32, #tpu.memory_space<vmem>>, vector<16xf32>,
      tpu.vector_store %arg10[%swap3A_328, %swap3A_329], %broadcast_in_dim3A_326 {strides = array<i32>} : memref<2x16xf32, #tpu.memory_space<vmem>>, vector<16xf32>,
      %broadcast_in_dim3A_331 = vector.broadcast %reduce_min3A_325 : i32 to vector<16xi32>
      %bitcast3A_332 = vector.bitcast %broadcast_in_dim3A_331 : vector<16xi32> to vector<16xf32>
      %swap3A_333 = arith.constant 1 : i32
      %swap3A_334 = arith.index_cast %swap3A_333 : i32 to index
      %swap3A_335 = arith.constant 0 : index
      %swap3A_336 = tpu.vector_load %arg10[%swap3A_334, %swap3A_335] {strides = array<i32>} : memref<2x16xf32, #tpu.memory_space<vmem>>, vector<16xf32>,
      tpu.vector_store %arg10[%swap3A_334, %swap3A_335], %bitcast3A_332 {strides = array<i32>} : memref<2x16xf32, #tpu.memory_space<vmem>>, vector<16xf32>,
      %add3A_337 = arith.constant 32 : i32
      %add3A_338 = arith.addi %add3A_337, %arg1 : i32
      "tpu.region"() ({
        %run_scoped3A = tpu.sem_alloc : memref<!tpu.dma_semaphore, #tpu.memory_space<semaphore_mem>>
        %dma_start3A = arith.constant 0 : i32
        %dma_start3A_411 = arith.constant 0 : i32
        %dma_start3A_412 = tpu.memref_slice %arg12[%add3A_338, %dma_start3A, %dma_start3A_411] : memref<64x2x16xf32, #tpu.memory_space<vmem_shared>> -> memref<1x2x16xf32, #tpu.memory_space<vmem_shared>>
        %dma_start3A_413 = tpu.memref_squeeze %dma_start3A_412 : memref<1x2x16xf32, #tpu.memory_space<vmem_shared>> -> memref<2x16xf32, #tpu.memory_space<vmem_shared>>
        %dma_start3A_414 = arith.constant 0 : i32
        %dma_start3A_415 = arith.constant 0 : i32
        %dma_start3A_416 = tpu.memref_slice %arg12[%add3A_338, %dma_start3A_414, %dma_start3A_415] : memref<64x2x16xf32, #tpu.memory_space<vmem_shared>> -> memref<1x2x16xf32, #tpu.memory_space<vmem_shared>>
        %dma_start3A_417 = tpu.memref_squeeze %dma_start3A_416 : memref<1x2x16xf32, #tpu.memory_space<vmem_shared>> -> memref<2x16xf32, #tpu.memory_space<vmem_shared>>
        tpu.enqueue_dma source(%arg10 : memref<2x16xf32, #tpu.memory_space<vmem>>) target(%dma_start3A_417 : memref<2x16xf32, #tpu.memory_space<vmem_shared>>) target_semaphore(%run_scoped3A : memref<!tpu.dma_semaphore, #tpu.memory_space<semaphore_mem>>)
        %dma_wait3A = arith.constant 0 : i32
        %dma_wait3A_418 = arith.constant 0 : i32
        %dma_wait3A_419 = tpu.memref_slice %arg12[%add3A_338, %dma_wait3A, %dma_wait3A_418] : memref<64x2x16xf32, #tpu.memory_space<vmem_shared>> -> memref<1x2x16xf32, #tpu.memory_space<vmem_shared>>
        %dma_wait3A_420 = tpu.memref_squeeze %dma_wait3A_419 : memref<1x2x16xf32, #tpu.memory_space<vmem_shared>> -> memref<2x16xf32, #tpu.memory_space<vmem_shared>>
        %dma_wait3A_421 = arith.constant 0 : i32
        %dma_wait3A_422 = arith.constant 0 : i32
        %dma_wait3A_423 = tpu.memref_slice %arg12[%add3A_338, %dma_wait3A_421, %dma_wait3A_422] : memref<64x2x16xf32, #tpu.memory_space<vmem_shared>> -> memref<1x2x16xf32, #tpu.memory_space<vmem_shared>>
        %dma_wait3A_424 = tpu.memref_squeeze %dma_wait3A_423 : memref<1x2x16xf32, #tpu.memory_space<vmem_shared>> -> memref<2x16xf32, #tpu.memory_space<vmem_shared>>
        tpu.wait_dma2 semaphore(%run_scoped3A : memref<!tpu.dma_semaphore, #tpu.memory_space<semaphore_mem>>) src(%arg10 : memref<2x16xf32, #tpu.memory_space<vmem>>) dst(%dma_wait3A_424 : memref<2x16xf32, #tpu.memory_space<vmem_shared>>)
        tpu.yield
      }) : () -> ()
      %barrier3A_339 = arith.constant 0 : index
      tpu.barrier barrier_id(%barrier3A_339)
      %mul3A_340 = arith.constant 4 : i32
      %mul3A_341 = arith.muli %select_n3A, %mul3A_340 : i32
      %add3A_342 = arith.constant 32 : i32
      %add3A_343 = arith.addi %add3A_342, %mul3A_341 : i32
      "tpu.region"() ({
        %run_scoped3A = tpu.sem_alloc : memref<!tpu.dma_semaphore, #tpu.memory_space<semaphore_mem>>
        %dma_start3A = arith.constant 0 : i32
        %dma_start3A_411 = arith.constant 0 : i32
        %dma_start3A_412 = tpu.memref_slice %arg12[%add3A_343, %dma_start3A, %dma_start3A_411] : memref<64x2x16xf32, #tpu.memory_space<vmem_shared>> -> memref<4x2x16xf32, #tpu.memory_space<vmem_shared>>
        %dma_start3A_413 = arith.constant 0 : i32
        %dma_start3A_414 = arith.constant 0 : i32
        %dma_start3A_415 = tpu.memref_slice %arg12[%add3A_343, %dma_start3A_413, %dma_start3A_414] : memref<64x2x16xf32, #tpu.memory_space<vmem_shared>> -> memref<4x2x16xf32, #tpu.memory_space<vmem_shared>>
        tpu.enqueue_dma source(%dma_start3A_415 : memref<4x2x16xf32, #tpu.memory_space<vmem_shared>>) target(%arg11 : memref<4x2x16xf32, #tpu.memory_space<vmem>>) target_semaphore(%run_scoped3A : memref<!tpu.dma_semaphore, #tpu.memory_space<semaphore_mem>>)
        %dma_wait3A = arith.constant 0 : i32
        %dma_wait3A_416 = arith.constant 0 : i32
        %dma_wait3A_417 = tpu.memref_slice %arg12[%add3A_343, %dma_wait3A, %dma_wait3A_416] : memref<64x2x16xf32, #tpu.memory_space<vmem_shared>> -> memref<4x2x16xf32, #tpu.memory_space<vmem_shared>>
        %dma_wait3A_418 = arith.constant 0 : i32
        %dma_wait3A_419 = arith.constant 0 : i32
        %dma_wait3A_420 = tpu.memref_slice %arg12[%add3A_343, %dma_wait3A_418, %dma_wait3A_419] : memref<64x2x16xf32, #tpu.memory_space<vmem_shared>> -> memref<4x2x16xf32, #tpu.memory_space<vmem_shared>>
        tpu.wait_dma2 semaphore(%run_scoped3A : memref<!tpu.dma_semaphore, #tpu.memory_space<semaphore_mem>>) src(%dma_wait3A_420 : memref<4x2x16xf32, #tpu.memory_space<vmem_shared>>) dst(%arg11 : memref<4x2x16xf32, #tpu.memory_space<vmem>>)
        tpu.yield
      }) : () -> ()
      %get3A_344 = arith.constant 0 : i32
      %get3A_345 = arith.constant 0 : i32
      %get3A_346 = arith.index_cast %get3A_344 : i32 to index
      %get3A_347 = arith.index_cast %get3A_345 : i32 to index
      %get3A_348 = arith.constant 0 : index
      %get3A_349 = tpu.vector_load %arg11[%get3A_346, %get3A_347, %get3A_348] {strides = array<i32>} : memref<4x2x16xf32, #tpu.memory_space<vmem>>, vector<16xf32>,
      %get3A_350 = arith.constant 0 : i32
      %get3A_351 = arith.constant 1 : i32
      %get3A_352 = arith.index_cast %get3A_350 : i32 to index
      %get3A_353 = arith.index_cast %get3A_351 : i32 to index
      %get3A_354 = arith.constant 0 : index
      %get3A_355 = tpu.vector_load %arg11[%get3A_352, %get3A_353, %get3A_354] {strides = array<i32>} : memref<4x2x16xf32, #tpu.memory_space<vmem>>, vector<16xf32>,
      %bitcast3A_356 = vector.bitcast %get3A_355 : vector<16xf32> to vector<16xi32>
      %get3A_357 = arith.constant 1 : i32
      %get3A_358 = arith.constant 0 : i32
      %get3A_359 = arith.index_cast %get3A_357 : i32 to index
      %get3A_360 = arith.index_cast %get3A_358 : i32 to index
      %get3A_361 = arith.constant 0 : index
      %get3A_362 = tpu.vector_load %arg11[%get3A_359, %get3A_360, %get3A_361] {strides = array<i32>} : memref<4x2x16xf32, #tpu.memory_space<vmem>>, vector<16xf32>,
      %get3A_363 = arith.constant 1 : i32
      %get3A_364 = arith.constant 1 : i32
      %get3A_365 = arith.index_cast %get3A_363 : i32 to index
      %get3A_366 = arith.index_cast %get3A_364 : i32 to index
      %get3A_367 = arith.constant 0 : index
      %get3A_368 = tpu.vector_load %arg11[%get3A_365, %get3A_366, %get3A_367] {strides = array<i32>} : memref<4x2x16xf32, #tpu.memory_space<vmem>>, vector<16xf32>,
      %bitcast3A_369 = vector.bitcast %get3A_368 : vector<16xf32> to vector<16xi32>
      %get3A_370 = arith.constant 2 : i32
      %get3A_371 = arith.constant 0 : i32
      %get3A_372 = arith.index_cast %get3A_370 : i32 to index
      %get3A_373 = arith.index_cast %get3A_371 : i32 to index
      %get3A_374 = arith.constant 0 : index
      %get3A_375 = tpu.vector_load %arg11[%get3A_372, %get3A_373, %get3A_374] {strides = array<i32>} : memref<4x2x16xf32, #tpu.memory_space<vmem>>, vector<16xf32>,
      %get3A_376 = arith.constant 2 : i32
      %get3A_377 = arith.constant 1 : i32
      %get3A_378 = arith.index_cast %get3A_376 : i32 to index
      %get3A_379 = arith.index_cast %get3A_377 : i32 to index
      %get3A_380 = arith.constant 0 : index
      %get3A_381 = tpu.vector_load %arg11[%get3A_378, %get3A_379, %get3A_380] {strides = array<i32>} : memref<4x2x16xf32, #tpu.memory_space<vmem>>, vector<16xf32>,
      %bitcast3A_382 = vector.bitcast %get3A_381 : vector<16xf32> to vector<16xi32>
      %get3A_383 = arith.constant 3 : i32
      %get3A_384 = arith.constant 0 : i32
      %get3A_385 = arith.index_cast %get3A_383 : i32 to index
      %get3A_386 = arith.index_cast %get3A_384 : i32 to index
      %get3A_387 = arith.constant 0 : index
      %get3A_388 = tpu.vector_load %arg11[%get3A_385, %get3A_386, %get3A_387] {strides = array<i32>} : memref<4x2x16xf32, #tpu.memory_space<vmem>>, vector<16xf32>,
      %get3A_389 = arith.constant 3 : i32
      %get3A_390 = arith.constant 1 : i32
      %get3A_391 = arith.index_cast %get3A_389 : i32 to index
      %get3A_392 = arith.index_cast %get3A_390 : i32 to index
      %get3A_393 = arith.constant 0 : index
      %get3A_394 = tpu.vector_load %arg11[%get3A_391, %get3A_392, %get3A_393] {strides = array<i32>} : memref<4x2x16xf32, #tpu.memory_space<vmem>>, vector<16xf32>,
      %bitcast3A_395 = vector.bitcast %get3A_394 : vector<16xf32> to vector<16xi32>
      %max3A_396 = arith.maximumf %get3A_349, %get3A_362 : vector<16xf32>
      %max3A_397 = arith.maximumf %get3A_375, %get3A_388 : vector<16xf32>
      %max3A_398 = arith.maximumf %max3A_396, %max3A_397 : vector<16xf32>
      %eq3A_399 = arith.cmpf oeq, %get3A_349, %max3A_398 : vector<16xf32>
      %eq3A_400 = arith.cmpf oeq, %get3A_362, %max3A_398 : vector<16xf32>
      %eq3A_401 = arith.cmpf oeq, %get3A_375, %max3A_398 : vector<16xf32>
      %select_n3A_402 = arith.select %eq3A_401, %bitcast3A_382, %bitcast3A_395 : vector<16xi1>, vector<16xi32>
      %select_n3A_403 = arith.select %eq3A_400, %bitcast3A_369, %select_n3A_402 : vector<16xi1>, vector<16xi32>
      %select_n3A_404 = arith.select %eq3A_399, %bitcast3A_356, %select_n3A_403 : vector<16xi1>, vector<16xi32>
      %max3A_405 = arith.constant 0 : i32
      %max3A_406 = vector.broadcast %max3A_405 : i32 to vector<16xi32>
      %max3A_407 = arith.maxsi %select_n3A_404, %max3A_406 : vector<16xi32>
      %min3A_408 = arith.constant 4095 : i32
      %min3A_409 = vector.broadcast %min3A_408 : i32 to vector<16xi32>
      %min3A_410 = arith.minsi %max3A_407, %min3A_409 : vector<16xi32>
      scf.yield %min3A_410 : vector<16xi32>
    }
    %scan3A_143 = arith.constant 256 : i32
    %parallel_loop3A_144 = arith.constant 0 : i32
    %parallel_loop3A_145 = arith.constant 256 : i32
    %parallel_loop3A_146 = arith.constant 1 : i32
    scf.for %parallel_loop3A_156 = %parallel_loop3A_144 to %parallel_loop3A_145 step %parallel_loop3A_146  : i32 {
      %parallel_loop3A_157 = arith.constant 16 : i32
      %parallel_loop3A_158 = arith.muli %parallel_loop3A_156, %parallel_loop3A_157 : i32
      %parallel_loop3A_159 = arith.constant 0 : i32
      %parallel_loop3A_160 = arith.index_cast %parallel_loop3A_159 : i32 to index
      %parallel_loop3A_161 = arith.index_cast %parallel_loop3A_158 : i32 to index
      %parallel_loop3A_162 = tpu.vector_load %arg4[%parallel_loop3A_160, %parallel_loop3A_161] {strides = array<i32>} : memref<3x4096xf32, #tpu.memory_space<vmem>>, vector<16xf32>,
      %parallel_loop3A_163 = arith.constant 1 : i32
      %parallel_loop3A_164 = arith.index_cast %parallel_loop3A_163 : i32 to index
      %parallel_loop3A_165 = arith.index_cast %parallel_loop3A_158 : i32 to index
      %parallel_loop3A_166 = tpu.vector_load %arg4[%parallel_loop3A_164, %parallel_loop3A_165] {strides = array<i32>} : memref<3x4096xf32, #tpu.memory_space<vmem>>, vector<16xf32>,
      %parallel_loop3A_167 = arith.constant 2 : i32
      %parallel_loop3A_168 = arith.index_cast %parallel_loop3A_167 : i32 to index
      %parallel_loop3A_169 = arith.index_cast %parallel_loop3A_158 : i32 to index
      %parallel_loop3A_170 = tpu.vector_load %arg4[%parallel_loop3A_168, %parallel_loop3A_169] {strides = array<i32>} : memref<3x4096xf32, #tpu.memory_space<vmem>>, vector<16xf32>,
      %parallel_loop3A_171 = arith.mulf %parallel_loop3A_162, %parallel_loop3A_162 : vector<16xf32>
      %parallel_loop3A_172 = arith.mulf %parallel_loop3A_166, %parallel_loop3A_166 : vector<16xf32>
      %parallel_loop3A_173 = arith.addf %parallel_loop3A_171, %parallel_loop3A_172 : vector<16xf32>
      %parallel_loop3A_174 = arith.mulf %parallel_loop3A_170, %parallel_loop3A_170 : vector<16xf32>
      %parallel_loop3A_175 = arith.addf %parallel_loop3A_173, %parallel_loop3A_174 : vector<16xf32>
      %parallel_loop3A_176 = arith.index_cast %parallel_loop3A_158 : i32 to index
      %parallel_loop3A_177 = tpu.vector_load %arg7[%parallel_loop3A_176] {strides = array<i32>} : memref<4096xf32, #tpu.memory_space<vmem>>, vector<16xf32>,
      tpu.vector_store %arg7[%parallel_loop3A_176], %parallel_loop3A_175 {strides = array<i32>} : memref<4096xf32, #tpu.memory_space<vmem>>, vector<16xf32>,
      %parallel_loop3A_178 = vector.bitcast %parallel_loop3A_162 : vector<16xf32> to vector<16xi32>
      %parallel_loop3A_179 = arith.constant 32767 : i32
      %parallel_loop3A_180 = vector.broadcast %parallel_loop3A_179 : i32 to vector<16xi32>
      %parallel_loop3A_181 = arith.addi %parallel_loop3A_178, %parallel_loop3A_180 : vector<16xi32>
      %parallel_loop3A_182 = arith.constant 16 : i32
      %parallel_loop3A_183 = vector.broadcast %parallel_loop3A_182 : i32 to vector<16xi32>
      %parallel_loop3A_184 = arith.shrui %parallel_loop3A_178, %parallel_loop3A_183 : vector<16xi32>
      %parallel_loop3A_185 = arith.constant 1 : i32
      %parallel_loop3A_186 = vector.broadcast %parallel_loop3A_185 : i32 to vector<16xi32>
      %parallel_loop3A_187 = arith.andi %parallel_loop3A_184, %parallel_loop3A_186 : vector<16xi32>
      %parallel_loop3A_188 = arith.addi %parallel_loop3A_181, %parallel_loop3A_187 : vector<16xi32>
      %parallel_loop3A_189 = arith.constant -65536 : i32
      %parallel_loop3A_190 = vector.broadcast %parallel_loop3A_189 : i32 to vector<16xi32>
      %parallel_loop3A_191 = arith.andi %parallel_loop3A_188, %parallel_loop3A_190 : vector<16xi32>
      %parallel_loop3A_192 = vector.bitcast %parallel_loop3A_191 : vector<16xi32> to vector<16xf32>
      %parallel_loop3A_193 = arith.constant 0 : i32
      %parallel_loop3A_194 = arith.index_cast %parallel_loop3A_193 : i32 to index
      %parallel_loop3A_195 = arith.index_cast %parallel_loop3A_158 : i32 to index
      %parallel_loop3A_196 = tpu.vector_load %arg9[%parallel_loop3A_194, %parallel_loop3A_195] {strides = array<i32>} : memref<3x4096xf32, #tpu.memory_space<vmem>>, vector<16xf32>,
      tpu.vector_store %arg9[%parallel_loop3A_194, %parallel_loop3A_195], %parallel_loop3A_192 {strides = array<i32>} : memref<3x4096xf32, #tpu.memory_space<vmem>>, vector<16xf32>,
      %parallel_loop3A_197 = vector.bitcast %parallel_loop3A_166 : vector<16xf32> to vector<16xi32>
      %parallel_loop3A_198 = arith.constant 32767 : i32
      %parallel_loop3A_199 = vector.broadcast %parallel_loop3A_198 : i32 to vector<16xi32>
      %parallel_loop3A_200 = arith.addi %parallel_loop3A_197, %parallel_loop3A_199 : vector<16xi32>
      %parallel_loop3A_201 = arith.constant 16 : i32
      %parallel_loop3A_202 = vector.broadcast %parallel_loop3A_201 : i32 to vector<16xi32>
      %parallel_loop3A_203 = arith.shrui %parallel_loop3A_197, %parallel_loop3A_202 : vector<16xi32>
      %parallel_loop3A_204 = arith.constant 1 : i32
      %parallel_loop3A_205 = vector.broadcast %parallel_loop3A_204 : i32 to vector<16xi32>
      %parallel_loop3A_206 = arith.andi %parallel_loop3A_203, %parallel_loop3A_205 : vector<16xi32>
      %parallel_loop3A_207 = arith.addi %parallel_loop3A_200, %parallel_loop3A_206 : vector<16xi32>
      %parallel_loop3A_208 = arith.constant -65536 : i32
      %parallel_loop3A_209 = vector.broadcast %parallel_loop3A_208 : i32 to vector<16xi32>
      %parallel_loop3A_210 = arith.andi %parallel_loop3A_207, %parallel_loop3A_209 : vector<16xi32>
      %parallel_loop3A_211 = vector.bitcast %parallel_loop3A_210 : vector<16xi32> to vector<16xf32>
      %parallel_loop3A_212 = arith.constant 1 : i32
      %parallel_loop3A_213 = arith.index_cast %parallel_loop3A_212 : i32 to index
      %parallel_loop3A_214 = arith.index_cast %parallel_loop3A_158 : i32 to index
      %parallel_loop3A_215 = tpu.vector_load %arg9[%parallel_loop3A_213, %parallel_loop3A_214] {strides = array<i32>} : memref<3x4096xf32, #tpu.memory_space<vmem>>, vector<16xf32>,
      tpu.vector_store %arg9[%parallel_loop3A_213, %parallel_loop3A_214], %parallel_loop3A_211 {strides = array<i32>} : memref<3x4096xf32, #tpu.memory_space<vmem>>, vector<16xf32>,
      %parallel_loop3A_216 = vector.bitcast %parallel_loop3A_170 : vector<16xf32> to vector<16xi32>
      %parallel_loop3A_217 = arith.constant 32767 : i32
      %parallel_loop3A_218 = vector.broadcast %parallel_loop3A_217 : i32 to vector<16xi32>
      %parallel_loop3A_219 = arith.addi %parallel_loop3A_216, %parallel_loop3A_218 : vector<16xi32>
      %parallel_loop3A_220 = arith.constant 16 : i32
      %parallel_loop3A_221 = vector.broadcast %parallel_loop3A_220 : i32 to vector<16xi32>
      %parallel_loop3A_222 = arith.shrui %parallel_loop3A_216, %parallel_loop3A_221 : vector<16xi32>
      %parallel_loop3A_223 = arith.constant 1 : i32
      %parallel_loop3A_224 = vector.broadcast %parallel_loop3A_223 : i32 to vector<16xi32>
      %parallel_loop3A_225 = arith.andi %parallel_loop3A_222, %parallel_loop3A_224 : vector<16xi32>
      %parallel_loop3A_226 = arith.addi %parallel_loop3A_219, %parallel_loop3A_225 : vector<16xi32>
      %parallel_loop3A_227 = arith.constant -65536 : i32
      %parallel_loop3A_228 = vector.broadcast %parallel_loop3A_227 : i32 to vector<16xi32>
      %parallel_loop3A_229 = arith.andi %parallel_loop3A_226, %parallel_loop3A_228 : vector<16xi32>
      %parallel_loop3A_230 = vector.bitcast %parallel_loop3A_229 : vector<16xi32> to vector<16xf32>
      %parallel_loop3A_231 = arith.constant 2 : i32
      %parallel_loop3A_232 = arith.index_cast %parallel_loop3A_231 : i32 to index
      %parallel_loop3A_233 = arith.index_cast %parallel_loop3A_158 : i32 to index
      %parallel_loop3A_234 = tpu.vector_load %arg9[%parallel_loop3A_232, %parallel_loop3A_233] {strides = array<i32>} : memref<3x4096xf32, #tpu.memory_space<vmem>>, vector<16xf32>,
      tpu.vector_store %arg9[%parallel_loop3A_232, %parallel_loop3A_233], %parallel_loop3A_230 {strides = array<i32>} : memref<3x4096xf32, #tpu.memory_space<vmem>>, vector<16xf32>,
    } {sc.loop_unroll_factor = 8 : i64, sc.parallel_access}
    %scan3A_147 = arith.constant 0 : i32
    %scan3A_148 = arith.constant 0 : i32
    %scan3A_149 = arith.constant 128 : i32
    %scan3A_150 = arith.addi %scan3A_148, %scan3A_149 : i32
    %scan3A_151 = arith.constant 1 : i32
    %scan3A_152 = scf.for %scan3A_156 = %scan3A_148 to %scan3A_150 step %scan3A_151 iter_args(%scan3A_157 = %scan3A_147) -> (i32)  : i32 {
      %mul3A_158 = arith.constant 128 : i32
      %mul3A_159 = arith.muli %select_n3A_28, %mul3A_158 : i32
      %add3A_160 = arith.addi %mul3A_159, %scan3A_156 : i32
      %broadcast_in_dim3A_161 = vector.broadcast %add3A_160 : i32 to vector<16xi32>
      %gather3A = tpu.vector_load_idx %arg6[%broadcast_in_dim3A_161] : memref<512xi32, #tpu.memory_space<vmem>>[vector<16xi32>], vector<16xi32>,
      %max3A_162 = arith.constant 0 : i32
      %max3A_163 = vector.broadcast %max3A_162 : i32 to vector<16xi32>
      %max3A_164 = arith.maxsi %gather3A, %max3A_163 : vector<16xi32>
      %min3A_165 = arith.constant 4095 : i32
      %min3A_166 = vector.broadcast %min3A_165 : i32 to vector<16xi32>
      %min3A_167 = arith.minsi %max3A_164, %min3A_166 : vector<16xi32>
      %gather3A_168 = tpu.vector_load_idx %arg4[%broadcast_in_dim3A_33, %min3A_167] : memref<3x4096xf32, #tpu.memory_space<vmem>>[vector<16xi32>, vector<16xi32>], vector<16xf32>,
      %gather3A_169 = tpu.vector_load_idx %arg4[%broadcast_in_dim3A_35, %min3A_167] : memref<3x4096xf32, #tpu.memory_space<vmem>>[vector<16xi32>, vector<16xi32>], vector<16xf32>,
      %gather3A_170 = tpu.vector_load_idx %arg4[%broadcast_in_dim3A_37, %min3A_167] : memref<3x4096xf32, #tpu.memory_space<vmem>>[vector<16xi32>, vector<16xi32>], vector<16xf32>,
      %mul3A_171 = arith.mulf %gather3A_168, %gather3A_168 : vector<16xf32>
      %mul3A_172 = arith.mulf %gather3A_169, %gather3A_169 : vector<16xf32>
      %add3A_173 = arith.addf %mul3A_171, %mul3A_172 : vector<16xf32>
      %mul3A_174 = arith.mulf %gather3A_170, %gather3A_170 : vector<16xf32>
      %add3A_175 = arith.addf %add3A_173, %mul3A_174 : vector<16xf32>
      %gather3A_176 = tpu.vector_load_idx %arg9[%broadcast_in_dim3A_33, %min3A_167] : memref<3x4096xf32, #tpu.memory_space<vmem>>[vector<16xi32>, vector<16xi32>], vector<16xf32>,
      %gather3A_177 = tpu.vector_load_idx %arg9[%broadcast_in_dim3A_35, %min3A_167] : memref<3x4096xf32, #tpu.memory_space<vmem>>[vector<16xi32>, vector<16xi32>], vector<16xf32>,
      %gather3A_178 = tpu.vector_load_idx %arg9[%broadcast_in_dim3A_37, %min3A_167] : memref<3x4096xf32, #tpu.memory_space<vmem>>[vector<16xi32>, vector<16xi32>], vector<16xf32>,
      %while3A = arith.constant 0 : i32
      %while3A_179 = arith.constant 1073741824 : i32
      %while3A_180:2 = scf.while (%while3A_188 = %while3A, %while3A_189 = %while3A_179) : (i32, i32) -> (i32, i32) {
        %ge3A = arith.constant 1073741824 : i32
        %ge3A_190 = arith.cmpi sge, %while3A_189, %ge3A : i32
        %lt3A_191 = arith.constant 256 : i32
        %lt3A_192 = arith.cmpi slt, %while3A_188, %lt3A_191 : i32
        %and3A_193 = arith.andi %ge3A_190, %lt3A_192 : i1
        scf.condition(%and3A_193) %while3A_188, %while3A_189 : i32, i32
      } do {
      ^bb0(%while3A_188: i32, %while3A_189: i32):
        %mul3A_190 = arith.constant 16 : i32
        %mul3A_191 = arith.muli %while3A_188, %mul3A_190 : i32
        %get3A_192 = arith.constant 0 : i32
        %get3A_193 = arith.index_cast %get3A_192 : i32 to index
        %get3A_194 = arith.index_cast %mul3A_191 : i32 to index
        %get3A_195 = tpu.vector_load %arg9[%get3A_193, %get3A_194] {strides = array<i32>} : memref<3x4096xf32, #tpu.memory_space<vmem>>, vector<16xf32>,
        %get3A_196 = arith.constant 1 : i32
        %get3A_197 = arith.index_cast %get3A_196 : i32 to index
        %get3A_198 = arith.index_cast %mul3A_191 : i32 to index
        %get3A_199 = tpu.vector_load %arg9[%get3A_197, %get3A_198] {strides = array<i32>} : memref<3x4096xf32, #tpu.memory_space<vmem>>, vector<16xf32>,
        %get3A_200 = arith.constant 2 : i32
        %get3A_201 = arith.index_cast %get3A_200 : i32 to index
        %get3A_202 = arith.index_cast %mul3A_191 : i32 to index
        %get3A_203 = tpu.vector_load %arg9[%get3A_201, %get3A_202] {strides = array<i32>} : memref<3x4096xf32, #tpu.memory_space<vmem>>, vector<16xf32>,
        %get3A_204 = arith.index_cast %mul3A_191 : i32 to index
        %get3A_205 = tpu.vector_load %arg7[%get3A_204] {strides = array<i32>} : memref<4096xf32, #tpu.memory_space<vmem>>, vector<16xf32>,
        %mul3A_206 = arith.mulf %gather3A_176, %get3A_195 : vector<16xf32>
        %mul3A_207 = arith.mulf %gather3A_177, %get3A_199 : vector<16xf32>
        %add3A_208 = arith.addf %mul3A_206, %mul3A_207 : vector<16xf32>
        %mul3A_209 = arith.mulf %gather3A_178, %get3A_203 : vector<16xf32>
        %add3A_210 = arith.addf %add3A_208, %mul3A_209 : vector<16xf32>
        %mul3A_211 = arith.constant -2.000000e+00 : f32
        %mul3A_212 = vector.broadcast %mul3A_211 : f32 to vector<16xf32>
        %mul3A_213 = arith.mulf %mul3A_212, %add3A_210 : vector<16xf32>
        %add3A_214 = arith.addf %mul3A_213, %add3A_175 : vector<16xf32>
        %add3A_215 = arith.addf %add3A_214, %get3A_205 : vector<16xf32>
        %gt3A = arith.constant 2.500000e-01 : f32
        %gt3A_216 = vector.broadcast %gt3A : f32 to vector<16xf32>
        %gt3A_217 = arith.cmpf ogt, %add3A_215, %gt3A_216 : vector<16xf32>
        %not3A = arith.constant dense<true> : vector<16xi1>
        %not3A_218 = arith.xori %gt3A_217, %not3A : vector<16xi1>
        %add3A_219 = vector.broadcast %mul3A_191 : i32 to vector<16xi32>
        %add3A_220 = arith.addi %add3A_219, %iota3A : vector<16xi32>
        %jit3A_221 = arith.constant 1073741824 : i32
        %broadcast_in_dim3A_222 = vector.broadcast %jit3A_221 : i32 to vector<16xi32>
        %select_n3A_223 = arith.select %not3A_218, %add3A_220, %broadcast_in_dim3A_222 : vector<16xi1>, vector<16xi32>
        %reduce_min3A_224 = arith.constant true
        %reduce_min3A_225 = vector.broadcast %reduce_min3A_224 : i1 to vector<16xi1>
        %reduce_min3A_226 = arith.constant -2147483648 : i32
        %reduce_min3A_227 = vector.broadcast %reduce_min3A_226 : i32 to vector<16xi32>
        %reduce_min3A_228 = arith.xori %select_n3A_223, %reduce_min3A_227 : vector<16xi32>
        %reduce_min3A_229 = tpu.scan <min>, %reduce_min3A_228 masked %reduce_min3A_225 : vector<16xi32>, vector<16xi1> -> vector<16xi32>
        %reduce_min3A_230 = arith.xori %reduce_min3A_229, %reduce_min3A_227 : vector<16xi32>
        %reduce_min3A_231 = vector.extract %reduce_min3A_230[15] : i32 from vector<16xi32>
        %add3A_232 = arith.constant 1 : i32
        %add3A_233 = arith.addi %while3A_188, %add3A_232 : i32
        %min3A_234 = arith.minsi %while3A_189, %reduce_min3A_231 : i32
        scf.yield %add3A_233, %min3A_234 : i32, i32
      }
      %broadcast_in_dim3A_181 = vector.broadcast %while3A_180#1 : i32 to vector<16xi32>
      %iota3A_182 = tpu.iota {dimensions = array<i32: 0>} : vector<16xi32>
      %eq3A_183 = arith.constant 0 : i32
      %eq3A_184 = vector.broadcast %eq3A_183 : i32 to vector<16xi32>
      %eq3A_185 = arith.cmpi eq, %iota3A_182, %eq3A_184 : vector<16xi32>
      %broadcast_in_dim3A_186 = vector.broadcast %scan3A_156 : i32 to vector<16xi32>
      tpu.vector_store_idx %arg8[%broadcast_in_dim3A_186], %broadcast_in_dim3A_181 masked %eq3A_185 : memref<128xi32, #tpu.memory_space<vmem>>[vector<16xi32>], vector<16xi32>, vector<16xi1>
      %scan3A_187 = arith.constant 0 : i32
      scf.yield %scan3A_187 : i32
    }
    %scan3A_153 = arith.constant 128 : i32
    %mul3A_154 = arith.constant 128 : i32
    %mul3A_155 = arith.muli %select_n3A_28, %mul3A_154 : i32
    "tpu.region"() ({
      %run_scoped3A = tpu.sem_alloc : memref<!tpu.dma_semaphore, #tpu.memory_space<semaphore_mem>>
      %dma_start3A = tpu.memref_slice %arg3[%add3A_30, %mul3A_155] : memref<8x512xi32, #tpu.memory_space<hbm>> -> memref<1x128xi32, #tpu.memory_space<hbm>>
      %dma_start3A_156 = tpu.memref_squeeze %dma_start3A : memref<1x128xi32, #tpu.memory_space<hbm>> -> memref<128xi32, #tpu.memory_space<hbm>>
      %dma_start3A_157 = tpu.memref_slice %arg3[%add3A_30, %mul3A_155] : memref<8x512xi32, #tpu.memory_space<hbm>> -> memref<1x128xi32, #tpu.memory_space<hbm>>
      %dma_start3A_158 = tpu.memref_squeeze %dma_start3A_157 : memref<1x128xi32, #tpu.memory_space<hbm>> -> memref<128xi32, #tpu.memory_space<hbm>>
      tpu.enqueue_dma source(%arg8 : memref<128xi32, #tpu.memory_space<vmem>>) target(%dma_start3A_158 : memref<128xi32, #tpu.memory_space<hbm>>) target_semaphore(%run_scoped3A : memref<!tpu.dma_semaphore, #tpu.memory_space<semaphore_mem>>)
      %dma_wait3A = tpu.memref_slice %arg3[%add3A_30, %mul3A_155] : memref<8x512xi32, #tpu.memory_space<hbm>> -> memref<1x128xi32, #tpu.memory_space<hbm>>
      %dma_wait3A_159 = tpu.memref_squeeze %dma_wait3A : memref<1x128xi32, #tpu.memory_space<hbm>> -> memref<128xi32, #tpu.memory_space<hbm>>
      %dma_wait3A_160 = tpu.memref_slice %arg3[%add3A_30, %mul3A_155] : memref<8x512xi32, #tpu.memory_space<hbm>> -> memref<1x128xi32, #tpu.memory_space<hbm>>
      %dma_wait3A_161 = tpu.memref_squeeze %dma_wait3A_160 : memref<1x128xi32, #tpu.memory_space<hbm>> -> memref<128xi32, #tpu.memory_space<hbm>>
      tpu.wait_dma2 semaphore(%run_scoped3A : memref<!tpu.dma_semaphore, #tpu.memory_space<semaphore_mem>>) src(%arg8 : memref<128xi32, #tpu.memory_space<vmem>>) dst(%dma_wait3A_161 : memref<128xi32, #tpu.memory_space<hbm>>)
      tpu.yield
    }) : () -> ()
    return
  }
}

</mosaic_0001>

<sc_bundles>
// kernel: kernel.3.cloned.1.call-start
scs
__scs_entry_jumppad:
0x0: {  	(pc) =	sbr.rel $0x88, $3  }
0x1: {  	(tag) =	ssettag $0x0;
	lr =	simm.s32 $0x1  }
0x2: {  	[smem:$0x3FA0] =	sst lr;
	_ =	strace $0xD0000000  }
0x3: {  	_ = 	snop  }
0x4: {  	_ = 	snop  }
0x5: {  	_ = 	snop  }
0x6: {  	_ = 	snop  }
0x7: {  	_ = 	snop  }
__scs_overlays_trampoline_lowered:
0x8: {  	[smem:$0x3FAF] =	sst s0  }
0x9: {  	[smem:$0x3FB0] =	sst s1  }
0xa: {  	[smem:$0x3FB1] =	sst s2  }
0xb: {  	[smem:$0x3FB2] =	sst s3  }
0xc: {  	[smem:$0x3FB3] =	sst s4  }
0xd: {  	[smem:$0x3FB4] =	sst s5  }
0xe: {  	[smem:$0x3FB5] =	sst s6  }
0xf: {  	[smem:$0x3FB6] =	sst s7  }
0x10: {  	[smem:$0x3FB7] =	sst s8  }
0x11: {  	[smem:$0x3FB8] =	sst s9;
	s0 =	simm.s32 @!p0 $0x0  }
0x12: {  	s1 =	sld [smem:$0x3F9E];
	s0 =	simm.s32 @p0 $0x1  }
0x13: {  	[smem:$0x3FB9] =	sst s0;
	s0 =	simm.s32 @!p1 $0x0  }
0x14: {  	s2 =	sld [smem:$0x3F9D];
	s0 =	simm.s32 @p1 $0x1  }
0x15: {  	[smem:$0x3FBA] =	sst s0;
	s0 =	simm.s32 @!p2 $0x0  }
0x16: {  	s3 =	sld [smem:$0x3FDB];
	s0 =	simm.s32 @p2 $0x1  }
0x17: {  	s4 =	simm.s32 $0x1BF5;
	[smem:$0x3FBC] =	sst s0  }
0x18: {  	s0 =	sld [smem:$0x3F9F];
	_ =	swait.ge [sflag:s4], $0x0  }
0x19: {  	s7 =	sld [smem:$0x3FA0]  }
0x1a: {  	s8 =	sadd.s32 $0xFFFFE003, lr  }
0x1b: {  	s9 =	sadd.s32 $0xFFFFFEF7, lr;
	s5 =	simm.s32 $0xFFFFFFFF;
	p2 =	slt.u32 s8, $0xFFFFF086  }
0x1c: {  	p1 =	slt.u32 s9, $0xF7A;
	s5 =	simm.s32 @!p2 $0x0  }
0x1d: {  	s5 =	simm.s32 @p1 $0x1;
	p0 =	seq.s32 s7, s2  }
0x1e: {  	s7 =	smul.u32 @!p0 $0xF7A, s2;
	p2 =	seq.s32 @!p0 s5, $0x0  }
0x1f: {  	s9 =	smul.u32 $0xF7A, s1;
	s8 =	simm.s32 @!p0 $0x1BF5;
	p2 =	por !p2, p0  }
0x20: {  	[sflag:s8] =	ssyncset.s32 @!p0 $0xFFFFF086;
	s6 =	sadd.s32 @!p0 s3, s7;
	s7 =	simm.s32 @!p0 $0x108  }
0x21: {  	s3 =	sadd.s32 s3, s9;
	s6 =	sadd.s32 @!p0 $0x88, s6;
	s7 =	simm.s32 @p2 $0x1082  }
0x22: {  	[simem:s7], [sflag:s8] =	dma.local @!p0 [hbm:s6], $0xF7A  }
0x23: {  	s9 =	sor.u32 $0xD0000000, s2;
	s6 =	simm.s32 $0x108;
	_ =	swait.ge @!p0 [sflag:s8], $0x0  }
0x24: {  	s3 =	sadd.s32 $0x88, s3;
	s6 =	simm.s32 @!p1 $0x1082;
	[sflag:s4] =	ssyncset.s32 $0xFFFFF086  }
0x25: {  	[simem:s6], [sflag:s4] =	dma.local [hbm:s3], $0xF7A  }
0x26: {  	[smem:$0x3FA0] =	sst s1;
	(tag) =	ssettag s2;
	_ =	strace s9  }
0x27: {  	s1 =	sld [smem:$0x3FB0]  }
0x28: {  	s2 =	sld [smem:$0x3FB1]  }
0x29: {  	s4 =	sld [smem:$0x3FB3]  }
0x2a: {  	p0 =	seq.s32 s5, $0x0;
	s5 =	sld [smem:$0x3FB4]  }
0x2b: {  	s6 =	sld [smem:$0x3FB5]  }
0x2c: {  	s7 =	sld [smem:$0x3FB6]  }
0x2d: {  	s3 =	simm.s32 $0x108;
	s8 =	sld [smem:$0x3FB7]  }
0x2e: {  	s3 =	simm.s32 @!p0 $0x1082;
	s9 =	sld [smem:$0x3FB8]  }
0x2f: {  	lr =	sadd.s32 s0, s3;
	s0 =	sld [smem:$0x3FAF]  }
0x30: {  	s3 =	sld [smem:$0x3FB2]  }
0x31: {  	[smem:$0x3FBB] =	sst s10  }
0x32: {  	s10 =	sld [smem:$0x3FB9];
	_ =	sdelay $0x3  }
0x33: {  	p0 =	seq.s32 s10, $0x1;
	s10 =	sld [smem:$0x3FBB];
	_ =	sdelay $0x3  }
0x34: {  	[smem:$0x3FBB] =	sst s10  }
0x35: {  	s10 =	sld [smem:$0x3FBA];
	_ =	sdelay $0x3  }
0x36: {  	p1 =	seq.s32 s10, $0x1;
	s10 =	sld [smem:$0x3FBB];
	_ =	sdelay $0x3  }
0x37: {  	[smem:$0x3FBB] =	sst s10  }
0x38: {  	s10 =	sld [smem:$0x3FBC]  }
0x39: {  	_ = 	snop;
	(pc) =	sbr.ind lr, $3  }
0x3a: {  	_ = 	snop  }
0x3b: {  	_ = 	snop  }
0x3c: {  	p2 =	seq.s32 s10, $0x1;
	s10 =	sld [smem:$0x3FBB]  }
0x3d: {  	_ =	shalt  }
0x3e: {  	_ =	shalt  }
0x3f: {  	_ =	shalt  }
0x40: {  	_ =	shalt  }
0x41: {  	_ =	shalt  }
0x42: {  	_ =	shalt  }
0x43: {  	_ =	shalt  }
0x44: {  	_ =	shalt  }
0x45: {  	_ =	shalt  }
0x46: {  	_ =	shalt  }
0x47: {  	_ =	shalt  }
0x48: {  	_ =	shalt  }
0x49: {  	_ =	shalt  }
0x4a: {  	_ =	shalt  }
0x4b: {  	_ =	shalt  }
0x4c: {  	_ =	shalt  }
0x4d: {  	_ =	shalt  }
0x4e: {  	_ =	shalt  }
0x4f: {  	_ =	shalt  }
0x50: {  	_ =	shalt  }
0x51: {  	_ =	shalt  }
0x52: {  	_ =	shalt  }
0x53: {  	_ =	shalt  }
0x54: {  	_ =	shalt  }
0x55: {  	_ =	shalt  }
0x56: {  	_ =	shalt  }
0x57: {  	_ =	shalt  }
0x58: {  	_ =	shalt  }
0x59: {  	_ =	shalt  }
0x5a: {  	_ =	shalt  }
0x5b: {  	_ =	shalt  }
0x5c: {  	_ =	shalt  }
0x5d: {  	_ =	shalt  }
0x5e: {  	_ =	shalt  }
0x5f: {  	_ =	shalt  }
0x60: {  	_ =	shalt  }
0x61: {  	_ =	shalt  }
0x62: {  	_ =	shalt  }
0x63: {  	_ =	shalt  }
0x64: {  	_ =	shalt  }
0x65: {  	_ =	shalt  }
0x66: {  	_ =	shalt  }
0x67: {  	_ =	shalt  }
0x68: {  	_ =	shalt  }
0x69: {  	_ =	shalt  }
0x6a: {  	_ =	shalt  }
0x6b: {  	_ =	shalt  }
0x6c: {  	_ =	shalt  }
0x6d: {  	_ =	shalt  }
0x6e: {  	_ =	shalt  }
0x6f: {  	_ =	shalt  }
0x70: {  	_ =	shalt  }
0x71: {  	_ =	shalt  }
0x72: {  	_ =	shalt  }
0x73: {  	_ =	shalt  }
0x74: {  	_ =	shalt  }
0x75: {  	_ =	shalt  }
0x76: {  	_ =	shalt  }
0x77: {  	_ =	shalt  }
0x78: {  	_ =	shalt  }
0x79: {  	_ =	shalt  }
0x7a: {  	_ =	shalt  }
0x7b: {  	_ =	shalt  }
0x7c: {  	_ =	shalt  }
0x7d: {  	_ =	shalt  }
0x7e: {  	_ =	shalt  }
0x7f: {  	_ =	shalt  }
0x80: {  	_ =	shalt  }
0x81: {  	_ =	shalt  }
0x82: {  	_ =	shalt  }
0x83: {  	_ =	shalt  }
0x84: {  	_ =	shalt  }
0x85: {  	_ =	shalt  }
0x86: {  	_ =	shalt  }
0x87: {  	_ =	shalt  }
.Lfunc_end0:
.L_simem_size_0:
called_computation_lowered:
.L_overlay_start_0:
0x88: {  	s2 =	sld [smem:$0x3FD9]  }
0x89: {  	s3 =	sld [smem:$0x3FFE];
	_ =	sdelay $0x1  }
0x8a: {  	s1 =	srdreg.scid  }
0x8b: {  	s0 =	sand.u32 $0x1, s1  }
0x8c: {  	s16 =	sshll.u32 s0, $0xA;
	s2 =	sadd.s32 s3, s2  }
0x8d: {  	s2 =	sadd.s32 s2, s16  }
0x8e: {  	[smem:$0x3FC7] =	sst s2  }
0x8f: {  	_ = 	snop  }
0x90: {  	(tm) =	ssettm $0x1  }
0x91: {  	s17 =	sld [smem:$0x3FFB];
	_ =	sdelay $0x3  }
0x92: {  	_ =	strace s17  }
0x93: {  	s2 =	sld [smem:$0x3FFC];
	_ =	sdelay $0x3  }
0x94: {  	_ =	strace s2  }
0x95: {  	s2 =	sld [smem:$0x3FFD];
	_ =	sdelay $0x3  }
0x96: {  	_ =	strace s2  }
0x97: {  	_ =	strace $0x8FFFFFFF  }
0x98: {  	s18 =	sld [smem:$0x3FDB];
	_ =	sdelay $0x1  }
0x99: {  	s19 =	simm.s32 $_scs_section_size  }
0x9a: {  	s4 =	simm.s32 $_size__tile_overlayer_lowered;
	s5 =	simm.s32 $_tile_overlayer_lowered  }
0x9b: {  	s22 =	simm.s32 $0x1BFF;
	s21 =	sshll.u32 s5, $0x1;
	s2 =	sadd.s32 s19, s18  }
0x9c: {  	s6 =	simm.s32 $0x0;
	s20 =	sshll.u32 s4, $0x1;
	s4 =	sadd.s32 s21, s2  }
0x9d: {  	[timem:s6], [sflag:s22] =	dma.local [hbm:s4], s20  }
0x9e: {  	_ =	swait.ge [sflag:s22], s20  }
0x9f: {  	s3 =	ssub.s32 $0x0, s20;
	[sflag:s22] =	ssyncset.done $0x0  }
0xa0: {  	[sflag:s22] =	ssyncadd.s32 s3;
	_ =	sdelay $0x1  }
0xa1: {  	s23 =	simm.s32 $0x1B8B  }
0xa2: {  	_ =	swait.ge [sflag:s23], $0x1  }
0xa3: {  	[sflag:s23] =	ssyncset.done $0x0  }
0xa4: {  	s25 =	simm.s32 $0x1B8E;
	s24 =	sld [smem:$0x3FFE];
	[sflag:s23] =	ssyncadd.s32 $0xFFFFFFFF  }
0xa5: {  	s26 =	simm.s32 $execute0_lowered;
	[smem:$0x3FD2] =	sst s25  }
0xa6: {  	s4 =	sshll.u32 s26, $0x1;
	_ =	strace $0x80000046;
	[dreg:$0x1] =	wrdreg $0xFFFFFFFF  }
0xa7: {  	s28 =	simm.s32 $_size_execute0_lowered;
	s2 =	sadd.s32 s2, s4;
	[dreg:$0x0] =	wrdreg $0x0  }
0xa8: {  	s4 =	sshll.u32 s28, $0x1;
	[dreg:$0x2] =	wrdreg s2  }
0xa9: {  	[dreg:$0x3] =	wrdreg s4  }
0xaa: {  	[dreg:$0x4] =	wrdreg $0xC0  }
0xab: {  	_ =	task [dreg:s6], $0x5FFFF  }
0xac: {  	[dreg:$0x1] =	wrdreg $0xFFFFFFFF  }
0xad: {  	[dreg:$0x0] =	wrdreg $0x60  }
0xae: {  	[dreg:$0x2] =	wrdreg s24  }
0xaf: {  	[dreg:$0x3] =	wrdreg $0x9B800  }
0xb0: {  	[dreg:$0x4] =	wrdreg $0x9  }
0xb1: {  	_ =	task.clear_ibuf [dreg:s6], $0x5FFFF;
	_ =	strace $0x90000046  }
0xb2: {  	s29 =	simm.s32 $0x9;
	_ =	strace $0x80000048  }
0xb3: {  	_ =	swait.ge [sflag:s29], $0x1  }
0xb4: {  	[sflag:s29] =	ssyncadd.s32 $0xFFFFFFFF  }
0xb5: {  	_ =	strace $0x90000048  }
0xb6: {  	_ =	sfence  }
0xb7: {  	s30 =	sld [smem:$0x0];
	_ =	sdelay $0x2  }
0xb8: {  	s31 =	sshll.u32 s1, $0xD;
	s1 =	sshrl.u32 s1, $0x2  }
0xb9: {  	s3 =	sand.u32 $0x4000, s31;
	s1 =	sadd.s32 s1, s30  }
0xba: {  	s0 =	sor.u32 s3, s0;
	s1 =	sshll.u32 s1, $0x11  }
0xbb: {  	s0 =	sor.u32 s1, s0  }
0xbc: {  	s0 =	sadd.s32 $0x8F2B, s0  }
0xbd: {  	[sflag:s0] =	ssyncadd.remote.s32 $0x1  }
0xbe: {  	_ =	sfence.sel $0xFFFF  }
0xbf: {  	[dreg:$0x0] =	wrdreg $0xFFFFFFFF;
	(pc) =	sbr.abs _section_cstart, $3  }
0xc0: {  	[dreg:$0x1] =	wrdreg $0xFFFFFFFF  }
0xc1: {  	_ =	task.clear_ibuf [dreg:s6], $0x2FFFF;
	_ =	strace $0x9FFFFFFF  }
0xc2: {  	(tm) =	ssettm $0x7FFFFFFF  }
0xc3: {  	_ =	shalt  }
tec
execute0_lowered:
.L_overlay_start_1:
0x0: {  	(tag) =	ssettag $0x1  }
0x1: {  	s0 =	rddreg [dreg:$0x0]  }
0x2: {  	s1 =	srdreg.scid;
	s2 =	rddreg [dreg:$0x1]  }
0x3: {  	s9 =	stileid.u32;
	s10 =	simm.s32 $0x0;
	s12 =	simm.s32 $0x9680  }
0x4: {  	s1 =	sand.u32 $0x1, s1;
	s3 =	sshrl.u32 s9, $0x2;
	s6 =	sand.u32 $0x3, s9  }
0x5: {  	[smem:$0x7FF] =	sst s10;
	s8 =	sshll.u32 s9, $0x8;
	s23 =	sshll.u32 s9, $0xE  }
0x6: {  	s4 =	sshll.u32 s1, $0x2;
	s7 =	sshll.u32 s6, $0xA;
	_ =	strace $0x80000047  }
0x7: {  	s1 =	ssub.s32 $0x2, s1;
	s8 =	sadd.s32 s8, s2;
	s11 =	sshll.u32 s6, $0x7  }
0x8: {  	s22 =	sshll.u32 s6, $0xE;
	s4 =	sor.u32 s3, s4;
	s18 =	sshrl.u32 s1, $0x1  }
0x9: {  	s3 =	sshll.u32 s3, $0xA;
	s19 =	sadd.s32 $0x3000, s8;
	[dreg:$0x7] =	wrdreg s11  }
0xa: {  	s21 =	sor.u32 $0x70, s7;
	s24 =	sshrl.u32 s22, $0x2;
	[dreg:$0x5] =	wrdreg s19  }
0xb: {  	s25 =	sor.u32 $0x440, s22;
	s28 =	sor.u32 $0x480, s22;
	[dreg:$0xa] =	wrdreg s21  }
0xc: {  	s29 =	sor.u32 $0x380, s22;
	s30 =	sor.u32 $0x4C0, s22;
	[dreg:$0x3] =	wrdreg s25  }
0xd: {  	s31 =	sor.u32 $0x500, s22;
	s5 =	sshll.u32 s4, $0x7;
	[dreg:$0xd] =	wrdreg s28  }
0xe: {  	s4 =	sshll.u32 s4, $0xB;
	s1 =	ssub.s32 s1, s18;
	[dreg:$0xe] =	wrdreg s29  }
0xf: {  	s2 =	sadd.s32 s3, s2;
	s26 =	sor.u32 $0x40, s24;
	[dreg:$0xf] =	wrdreg s30  }
0x10: {  	[dreg:$0x10] =	wrdreg s31;
	s19 =	simm.s32 $0x1;
	s21 =	simm.s32 $0x9780  }
0x11: {  	s5 =	sor.u32 s7, s5;
	s4 =	sadd.s32 s4, s0;
	s20 =	smax.u32 s1, $0x1  }
0x12: {  	s1 =	sand.u32 $0xC000, s23;
	[dreg:$0xb] =	wrdreg s26;
	s23 =	simm.s32 $0x5680  }
0x13: {  	s5 =	sshrl.u32 s5, $0x3;
	s4 =	sadd.s32 $0x400, s4;
	[dreg:$0x9] =	wrdreg s20  }
0x14: {  	s1 =	sor.u32 $0x3C0, s1;
	s0 =	sadd.s32 s5, s0;
	[dreg:$0x4] =	wrdreg s4  }
0x15: {  	v3 =	vmov s24;
	s5 =	sadd.s32 $0x2000, s2;
	s2 =	sadd.s32 $0x3000, s2;
	[dreg:$0xc] =	wrdreg s1  }
0x16: {  	s26 =	simm.s32 $0x0;
	[dreg:$0x6] =	wrdreg s2;
	s0 =	sadd.s32 $0x4400, s0  }
0x17: {  	s4 =	sadd.s32 $0x2000, s8;
	[dreg:$0x8] =	wrdreg s0;
	s0 =	sor.u32 $0x340, s22  }
0x18: {  	v1 =	vimm.f32 $1.000000000e+10;
	v2 =	vlaneseq.u32;
	v0 =	vmov s7;
	s1 =	simm.s32 $0x0;
	s22 =	simm.s32 $0x4400;
	[dreg:$0x11] =	wrdreg s0  }
.LBB2_1:
0x19: {  	[dreg:$0x12] =	wrdreg s1  }
0x1a: {  	s0 =	rddreg [dreg:$0x4]  }
0x1b: {  	[tilespmem:s10], [sflag:$0x1] =	stream.linear.gather [hbm4b:s0+s10], $0x4000, $0x38;
	[tilespmem:$0x9C00] =	vst v63  }
0x1c: {  	_ =	swait.ge [sflag:s19], $0x4000  }
0x1d: {  	[sflag:s19] =	ssyncset.done $0x0  }
0x1e: {  	s3 =	rddreg [dreg:$0xb];
	[sflag:s19] =	ssyncadd.s32 $0xFFFFC000  }
0x1f: {  	v4 =	vld [tilespmem:s3+$0xFFFFFFC0];
	_ =	sdelay $0x1  }
0x20: {  	v5 =	vld [tilespmem:s3+$0xFFFFFFD0];
	_ =	sdelay $0x1  }
0x21: {  	v6 =	vimm.f32 $-1.000000020e+30;
	s24 =	simm.s32 $0x4040;
	v7 =	vld [tilespmem:s3+$0xFFFFFFE0]  }
0x22: {  	[tilespmem:s24+$0xFFFFFFC0] =	vst v1;
	vm0 =	vgt.f32 v4, v6  }
0x23: {  	[tilespmem:s24+$0xFFFFFFD0] =	vst v1;
	v4 =	vsel vm0, v4, v6;
	v6 =	vld [tilespmem:s3+$0xFFFFFFF0]  }
0x24: {  	s6 =	rddreg [dreg:$0xa];
	vm1 =	vgt.f32 v5, v4  }
0x25: {  	v8 =	vld [tilespmem:s3+$0x0];
	s25 =	sadd.s32 $0xFFFFFF90, s6;
	v4 =	vsel vm1, v5, v4  }
0x26: {  	s28 =	sadd.s32 $0xFFFFFFA0, s6;
	v9 =	vor.u32 s25, v2;
	v5 =	vimm.s32 $0x0;
	vm2 =	vgt.f32 v7, v4  }
0x27: {  	[tilespmem:s24+$0xFFFFFFE0] =	vst v1;
	s29 =	sadd.s32 $0xFFFFFFB0, s6;
	v5 =	vsel vm0, v9, v5;
	v9 =	vor.u32 s28, v2;
	v7 =	vsel vm2, v7, v4;
	v4 =	vld [tilespmem:s3+$0x10]  }
0x28: {  	[tilespmem:s24+$0x0] =	vst v1;
	v5 =	vsel vm1, v9, v5;
	v9 =	vor.u32 s29, v2;
	vm0 =	vgt.f32 v6, v7  }
0x29: {  	s30 =	sadd.s32 $0xFFFFFFC0, s6;
	[tilespmem:s24+$0xFFFFFFF0] =	vst v1;
	v6 =	vsel vm0, v6, v7;
	v7 =	vsel vm2, v9, v5;
	v5 =	vld [tilespmem:s3+$0x20]  }
0x2a: {  	s31 =	sadd.s32 $0xFFFFFFD0, s6;
	[tilespmem:s24+$0x10] =	vst v1;
	v9 =	vor.u32 s30, v2;
	vm1 =	vgt.f32 v8, v6  }
0x2b: {  	s1 =	simm.s32 $0x0;
	s2 =	sadd.s32 $0xFFFFFFE0, s6;
	[tilespmem:s24+$0x20] =	vst v1;
	v7 =	vsel vm0, v9, v7;
	v9 =	vor.u32 s31, v2;
	v8 =	vsel vm1, v8, v6;
	v6 =	vld [tilespmem:s3+$0x30]  }
0x2c: {  	s0 =	smov.u32 s6;
	v7 =	vsel vm1, v9, v7;
	[tilespmem:s24+$0x30] =	vst v1;
	v9 =	vor.u32 s2, v2;
	s2 =	simm.s32 $0x40C0;
	s3 =	sadd.s32 $0x200, s3;
	vm0 =	vgt.f32 v4, v8  }
.LBB2_2:
0x2d: {  	v10 =	vld [tilespmem:s3+$0xFFFFFFC0];
	[tilespmem:s2+$0xFFFFFFC0] =	vst v1;
	s1 =	sadd.s32 $0x8, s1;
	v4 =	vsel vm0, v4, v8;
	v7 =	vsel vm0, v9, v7;
	s6 =	sadd.s32 $0xFFFFFFF0, s0  }
0x2e: {  	p0 =	slt.u32 s1, $0x38;
	vm0 =	vgt.f32 v5, v4;
	v8 =	vor.u32 s6, v2  }
0x2f: {  	v9 =	vld [tilespmem:s3+$0xFFFFFFD0];
	[tilespmem:s2+$0xFFFFFFD0] =	vst v1;
	v4 =	vsel vm0, v5, v4;
	v5 =	vsel vm0, v8, v7  }
0x30: {  	v7 =	vor.u32 s0, v2;
	s0 =	sadd.s32 $0x80, s0;
	vm0 =	vgt.f32 v6, v4  }
0x31: {  	s6 =	sadd.s32 $0xFFFFFF90, s0;
	v8 =	vld [tilespmem:s3+$0xFFFFFFE0];
	[tilespmem:s2+$0xFFFFFFE0] =	vst v1;
	v4 =	vsel vm0, v6, v4;
	v5 =	vsel vm0, v7, v5  }
0x32: {  	v6 =	vor.u32 s6, v2;
	vm0 =	vgt.f32 v10, v4  }
0x33: {  	s6 =	sadd.s32 $0xFFFFFFA0, s0;
	v4 =	vsel vm0, v10, v4;
	v5 =	vsel vm0, v6, v5;
	v6 =	vld [tilespmem:s3+$0xFFFFFFF0];
	[tilespmem:s2+$0xFFFFFFF0] =	vst v1  }
0x34: {  	v7 =	vor.u32 s6, v2;
	vm0 =	vgt.f32 v9, v4  }
0x35: {  	s6 =	sadd.s32 $0xFFFFFFB0, s0;
	v4 =	vsel vm0, v9, v4;
	v5 =	vsel vm0, v7, v5;
	v7 =	vld [tilespmem:s3+$0x0];
	[tilespmem:s2+$0x0] =	vst v1  }
0x36: {  	v9 =	vor.u32 s6, v2;
	vm0 =	vgt.f32 v8, v4  }
0x37: {  	s6 =	sadd.s32 $0xFFFFFFC0, s0;
	v8 =	vsel vm0, v8, v4;
	v5 =	vsel vm0, v9, v5;
	v4 =	vld [tilespmem:s3+$0x10];
	[tilespmem:s2+$0x10] =	vst v1  }
.Ltmp0:
0x38: {  	v9 =	vor.u32 s6, v2;
	vm0 =	vgt.f32 v6, v8;
	(pc) =	sbr.rel @p0 .LBB2_2-.Ltmp0, $4  }
0x39: {  	s6 =	sadd.s32 $0xFFFFFFD0, s0;
	v6 =	vsel vm0, v6, v8;
	v9 =	vsel vm0, v9, v5;
	v5 =	vld [tilespmem:s3+$0x20];
	[tilespmem:s2+$0x20] =	vst v1  }
0x3a: {  	v10 =	vor.u32 s6, v2;
	vm0 =	vgt.f32 v7, v6  }
0x3b: {  	s6 =	sadd.s32 $0xFFFFFFE0, s0;
	v8 =	vsel vm0, v7, v6;
	v7 =	vsel vm0, v10, v9;
	v6 =	vld [tilespmem:s3+$0x30];
	[tilespmem:s2+$0x30] =	vst v1  }
0x3c: {  	v9 =	vor.u32 s6, v2;
	s2 =	sadd.s32 $0x80, s2;
	s3 =	sadd.s32 $0x200, s3;
	vm0 =	vgt.f32 v4, v8  }
0x3d: {  	v4 =	vsel vm0, v4, v8  }
0x3e: {  	vm1 =	vgt.f32 v5, v4  }
0x3f: {  	v4 =	vsel vm1, v5, v4  }
0x40: {  	vm2 =	vgt.f32 v6, v4  }
0x41: {  	v4 =	vsel vm2, v6, v4  }
0x42: {  	(xrf0) =	vmax.scan.msk.f32 $0xffff, v4;
	_ =	sdelay $0x4  }
0x43: {  	s1 =	sadd.s32 $0xFFFFFFF0, s0  }
0x44: {  	v5 =	vsel vm0, v9, v7;
	v6 =	vor.u32 s1, v2;
	v7, _, _ =	vpop (xrf0)  }
0x45: {  	v5 =	vsel vm1, v6, v5;
	v6 =	vor.u32 s0, v2;
	v7 =	vbroadcast v7, $0xF  }
0x46: {  	v5 =	vsel vm2, v6, v5  }
0x47: {  	vm12 =	veq.f32 v4, v7;
	v4 =	vxor.u32 $0x80000000, v5  }
0x48: {  	v4 =	vnsel vm12, $0xC0000000, v4  }
0x49: {  	(xrf0) =	vmin.scan.msk.u32 $0xffff, v4;
	_ =	sdelay $0x5  }
0x4a: {  	v4, _, _ =	vpop (xrf0)  }
0x4b: {  	(v2sf) =	vpush v4, $0xF;
	_ =	sdelay $0xe  }
0x4c: {  	s31 =	spop (v2sf)  }
0x4d: {  	s0 =	sxor.u32 $0x80000000, s31  }
0x4e: {  	v4 =	vmov s0  }
0x4f: {  	v4 =	vbroadcast v4, $0x0  }
0x50: {  	[tilespmem:$0x9680] =	vst v7  }
0x51: {  	[tilespmem:$0x9700] =	vst v4  }
0x52: {  	[spmem:s4] =	stream.linear.scatter [tilespmem:s12], [sflag:$0x1], $0x100, $0x38;
	[tilespmem:$0x9C00] =	vst v63  }
0x53: {  	_ =	swait.ge [sflag:s19], $0x100  }
0x54: {  	[sflag:s19] =	ssyncset.done $0x0  }
0x55: {  	[sflag:s19] =	ssyncadd.s32 $0xFFFFFF00  }
0x56: {  	[bflag:$0x0] =	sbarrier.arrive $0xFFFF  }
0x57: {  	[tilespmem:s21], [sflag:$0x1] =	stream.linear.gather [spmem:s5], $0x400, $0x38;
	[tilespmem:$0x9C00] =	vst v63  }
0x58: {  	_ =	swait.ge [sflag:s19], $0x400  }
0x59: {  	[sflag:s19] =	ssyncset.done $0x0  }
0x5a: {  	[sflag:s19] =	ssyncadd.s32 $0xFFFFFC00  }
0x5b: {  	v4 =	vld [tilespmem:$0x9780]  }
0x5c: {  	v5 =	vld [tilespmem:$0x9880]  }
0x5d: {  	v6 =	vld [tilespmem:$0x9980]  }
0x5e: {  	v7 =	vld [tilespmem:$0x9A80];
	_ =	sdelay $0x1  }
0x5f: {  	v62 =	vld [tilespmem:$0x9A00]  }
0x60: {  	v63 =	vld [tilespmem:$0x9B00]  }
0x61: {  	v10 =	vld [tilespmem:$0x9900]  }
0x62: {  	v11 =	vld [tilespmem:$0x9800];
	v12 =	vmax.f32 v4, v5;
	v7 =	vmax.f32 v6, v7  }
0x63: {  	v7 =	vmax.f32 v12, v7  }
0x64: {  	vm13 =	veq.f32 v6, v7  }
0x65: {  	vm14 =	veq.f32 v5, v7;
	v5 =	vsel vm13, v62, v63  }
0x66: {  	vm15 =	veq.f32 v4, v7;
	v4 =	vsel vm14, v10, v5  }
0x67: {  	v4 =	vsel vm15, v11, v4  }
0x68: {  	vm0 =	vgt.s32 v4, $0x0  }
0x69: {  	v4 =	vnsel vm0, $0x0, v4  }
0x6a: {  	s28 =	simm.s32 $0x0;
	v5 =	vmin.u32 v4, $0xFFF  }
.LBB2_4:
0x6b: {  	s30 =	sshll.u32 s28, $0x1  }
0x6c: {  	v4 =	vmov s30  }
0x6d: {  	v6 =	vshll.u32 v5, $0x2;
	v4 =	vbroadcast v4, $0x0  }
0x6e: {  	v7 =	vand.u32 $0x7F, v5;
	v6 =	vand.u32 $0x3E00, v6  }
0x6f: {  	v6 =	vor.u32 v7, v6  }
0x70: {  	v7 =	vor.u32 $0x80, v6  }
0x71: {  	v8 =	vor.u32 $0x100, v6;
	_ =	sdelay $0x1  }
0x72: {  	[tilespmem:v4+s22+$0x0] =	vst.idx.msk $0x1, v5  }
0x73: {  	v5 =	vld.idx.msk [tilespmem:v6+s26+$0x0], $0xffff  }
0x74: {  	v6 =	vld.idx.msk [tilespmem:v7+s26+$0x0], $0xffff  }
0x75: {  	s0 =	rddreg [dreg:$0xf];
	v4 =	vld.idx.msk [tilespmem:v8+s26+$0x0], $0xffff  }
0x76: {  	s31 =	sshrl.u32 s0, $0x2;
	v7 =	vld.idx.msk [tilespmem:v3+s26+$0x100 ss:$0x1], $0xffff  }
0x77: {  	s16 =	rddreg [dreg:$0x10];
	s2 =	sadd.s32 $0x0, s31;
	v8 =	vld.idx.msk [tilespmem:v3+s26+$0x0 ss:$0x1], $0xffff  }
0x78: {  	s17 =	rddreg [dreg:$0xd];
	s1 =	sshrl.u32 s16, $0x2;
	v9 =	vld [tilespmem:s2+$0x0]  }
0x79: {  	s0 =	sshrl.u32 s17, $0x2;
	s3 =	sadd.s32 $0x0, s1;
	v10 =	vld [tilespmem:s2+$0xFFFFFF80]  }
0x7a: {  	s8 =	rddreg [dreg:$0x11];
	s7 =	sadd.s32 $0x0, s0;
	v11 =	vld [tilespmem:s3+$0x0]  }
0x7b: {  	s29 =	sshrl.u32 s8, $0x2;
	v12 =	vld [tilespmem:s7+$0x0]  }
0x7c: {  	s6 =	rddreg [dreg:$0x3];
	s8 =	sadd.s32 $0x0, s29;
	v13 =	vld [tilespmem:s3+$0xFFFFFF00]  }
0x7d: {  	s6 =	sshrl.u32 s6, $0x2;
	v14 =	vld [tilespmem:s8+$0x80]  }
0x7e: {  	s6 =	sadd.s32 $0x0, s6;
	v15 =	vld [tilespmem:s2+$0xFFFFFF00]  }
0x7f: {  	v16 =	vld [tilespmem:s6+$0x0]  }
0x80: {  	v17 =	vld [tilespmem:s7+$0xFFFFFF80]  }
0x81: {  	v18 =	vld [tilespmem:s8+$0xFFFFFF80]  }
0x82: {  	v19 =	vld.idx.msk [tilespmem:v3+s26+$0x80 ss:$0x1], $0xffff  }
0x83: {  	v20 =	vld [tilespmem:s8+$0x0]  }
0x84: {  	v21 =	vld [tilespmem:s7+$0xFFFFFF00];
	v7 =	vsub.f32 v7, v4  }
0x85: {  	v22 =	vld [tilespmem:s6+$0xFFFFFF80];
	v8 =	vsub.f32 v8, v5;
	v10 =	vsub.f32 v10, v6  }
0x86: {  	v24 =	vld [tilespmem:s6+$0xFFFFFF00];
	v12 =	vsub.f32 v12, v4;
	v15 =	vsub.f32 v15, v5  }
0x87: {  	s11 =	sadd.s32 $0x200, s0;
	v27 =	vld [tilespmem:s3+$0xFFFFFF80];
	v13 =	vsub.f32 v13, v5;
	v11 =	vsub.f32 v11, v4  }
0x88: {  	s12 =	sadd.s32 $0x200, s29;
	v58 =	vld [tilespmem:s11+$0xFFFFFF80];
	v16 =	vsub.f32 v16, v4;
	v9 =	vsub.f32 v9, v4  }
0x89: {  	v23 =	vimm.f32 $-1.000000000e+00;
	s6 =	simm.s32 $0x4040;
	v35 =	vld [tilespmem:s12+$0xFFFFFF80];
	v17 =	vsub.f32 v17, v6;
	v18 =	vsub.f32 v18, v5  }
0x8a: {  	v25 =	vimm.s32 $0x0;
	v28 =	vld [tilespmem:s6+$0xFFFFFFD0];
	v21 =	vsub.f32 v21, v5;
	v22 =	vsub.f32 v22, v6  }
0x8b: {  	s18 =	rddreg [dreg:$0xe];
	v29 =	vld [tilespmem:s6+$0xFFFFFFF0];
	v14 =	vsub.f32 v14, v4;
	v7 =	vmul.f32 v7, v7;
	v8 =	vmul.f32 v8, v8  }
0x8c: {  	s2 =	sshrl.u32 s18, $0x2;
	v30 =	vld [tilespmem:s6+$0xFFFFFFC0];
	v24 =	vsub.f32 v24, v5;
	v10 =	vmul.f32 v10, v10;
	v15 =	vmul.f32 v15, v15  }
0x8d: {  	s20 =	sadd.s32 $0x0, s2;
	v32 =	vld [tilespmem:s6+$0x20];
	v27 =	vsub.f32 v27, v6;
	v17 =	vmul.f32 v17, v17;
	v21 =	vmul.f32 v21, v21  }
0x8e: {  	v26 =	vld [tilespmem:s20+$0xFFFFFF80];
	v9 =	vmul.f32 v9, v9;
	v13 =	vmul.f32 v13, v13;
	v10 =	vadd.f32 v10, v15  }
0x8f: {  	v31 =	vld [tilespmem:s20+$0x0];
	v15 =	vsub.f32 v19, v6;
	v17 =	vadd.f32 v17, v21;
	v21 =	vmul.f32 v27, v27  }
0x90: {  	s24 =	rddreg [dreg:$0xc];
	v12 =	vmul.f32 v12, v12;
	v9 =	vadd.f32 v9, v10;
	v10 =	vsub.f32 v20, v6;
	v20 =	vld [tilespmem:s20+$0x80]  }
0x91: {  	s9 =	sadd.s32 $0x200, s31;
	s3 =	sshrl.u32 s24, $0x2;
	v11 =	vmul.f32 v11, v11;
	v18 =	vmul.f32 v18, v18;
	v13 =	vadd.f32 v21, v13;
	v21 =	vld [tilespmem:s6+$0x0]  }
0x92: {  	s25 =	sadd.s32 $0x0, s3;
	v22 =	vmul.f32 v22, v22;
	v15 =	vmul.f32 v15, v15;
	v12 =	vadd.f32 v12, v17;
	v17 =	vld [tilespmem:s9+$0x0]  }
0x93: {  	s7 =	simm.s32 $0x200;
	v34 =	vld [tilespmem:s25+$0x0];
	v26 =	vsub.f32 v26, v5;
	v14 =	vmul.f32 v14, v14;
	v10 =	vmul.f32 v10, v10  }
0x94: {  	v16 =	vmul.f32 v16, v16;
	v8 =	vadd.f32 v15, v8;
	v11 =	vadd.f32 v11, v13;
	v13 =	vld.idx.msk [tilespmem:v3+s7+$0x0 ss:$0x1], $0xffff  }
0x95: {  	v19 =	vld [tilespmem:s6+$0x10];
	v27 =	vsub.f32 v31, v6;
	v10 =	vadd.f32 v10, v18;
	v18 =	vmul.f32 v24, v24  }
0x96: {  	v26 =	vmul.f32 v26, v26;
	v24 =	vld [tilespmem:s25+$0x80];
	v7 =	vadd.f32 v7, v8;
	v20 =	vsub.f32 v20, v4  }
0x97: {  	v8 =	vld [tilespmem:s6+$0xFFFFFFE0];
	v38 =	vmin.f32 v11, v21;
	v17 =	vsub.f32 v17, v4;
	v18 =	vadd.f32 v22, v18  }
0x98: {  	v33 =	vld [tilespmem:s25+$0xFFFFFF80];
	v10 =	vadd.f32 v14, v10;
	v14 =	vmul.f32 v27, v27;
	v27 =	vmin.f32 v9, v29  }
0x99: {  	s10 =	rddreg [dreg:$0x3];
	s13 =	sadd.s32 $0x200, s1;
	v22 =	vld.idx.msk [tilespmem:v3+s7+$0x100 ss:$0x1], $0xffff;
	v9 =	vsub.f32 v34, v6;
	v13 =	vsub.f32 v13, v5;
	v11 =	vmul.f32 v20, v20  }
0x9a: {  	s10 =	sshrl.u32 s10, $0x2;
	v29 =	vld [tilespmem:s13+$0xFFFFFF00];
	v14 =	vadd.f32 v14, v26;
	v26 =	vmin.f32 v7, v30;
	v7 =	vadd.f32 v16, v18  }
0x9b: {  	s10 =	sadd.s32 $0x200, s10;
	v36 =	vld.idx.msk [tilespmem:v3+s7+$0x80 ss:$0x1], $0xffff;
	v9 =	vmul.f32 v9, v9;
	v10 =	vmin.f32 v10, v19;
	v19 =	vsub.f32 v35, v5  }
0x9c: {  	v20 =	vld [tilespmem:s10+$0xFFFFFF80];
	v16 =	vsub.f32 v24, v4;
	v8 =	vmin.f32 v12, v8;
	vm0 =	vgt.f32 v26, v23  }
0x9d: {  	v18 =	vld [tilespmem:s9+$0xFFFFFF80];
	v57 =	vmul.f32 v13, v13;
	v24 =	vmin.f32 v7, v28;
	v23 =	vsel vm0, v26, v23  }
0x9e: {  	v12 =	vld [tilespmem:s13+$0x0];
	v28 =	vsub.f32 v33, v5;
	v25 =	vsel vm0, s26, v25;
	v22 =	vsub.f32 v22, v4  }
0x9f: {  	v13 =	vld [tilespmem:s10+$0x0];
	v14 =	vadd.f32 v11, v14;
	vm0 =	vgt.f32 v24, v23;
	v29 =	vsub.f32 v29, v5  }
0xa0: {  	s14 =	simm.s32 $0x1;
	s17 =	sadd.s32 $0x200, s2;
	v23 =	vsel vm0, v24, v23;
	v28 =	vmul.f32 v28, v28;
	v31 =	vmul.f32 v22, v22;
	v22 =	vld [tilespmem:s9+$0xFFFFFF00]  }
0xa1: {  	v59 =	vld [tilespmem:s17+$0xFFFFFF80];
	v16 =	vmul.f32 v16, v16;
	v25 =	vsel vm0, s14, v25;
	vm1 =	vgt.f32 v8, v23  }
0xa2: {  	s15 =	simm.s32 $0x2;
	v7 =	vld [tilespmem:s11+$0x0];
	v32 =	vmin.f32 v14, v32;
	v23 =	vsel vm1, v8, v23;
	v28 =	vadd.f32 v9, v28  }
0xa3: {  	s16 =	simm.s32 $0x3;
	v15 =	vld [tilespmem:s6+$0x30];
	v9 =	vsub.f32 v12, v4;
	v12 =	vsel vm1, s15, v25;
	vm0 =	vgt.f32 v27, v23  }
0xa4: {  	v20 =	vsub.f32 v20, v6;
	v18 =	vsub.f32 v18, v6;
	v37 =	vsel vm0, s16, v12;
	v12 =	vld [tilespmem:s11+$0xFFFFFF00]  }
0xa5: {  	v30 =	vld [tilespmem:s12+$0x80];
	v29 =	vmul.f32 v29, v29;
	v39 =	vsub.f32 v13, v4;
	v22 =	vsub.f32 v22, v5  }
0xa6: {  	[tilespmem:s6+$0xFFFFFFC0] =	vst v26;
	s9 =	simm.s32 $0x40C0;
	v25 =	vld [tilespmem:s12+$0x0];
	v13 =	vsub.f32 v58, v6;
	v26 =	vmul.f32 v20, v20;
	v16 =	vadd.f32 v16, v28  }
0xa7: {  	v60 =	vld [tilespmem:s9+$0xFFFFFFF0];
	v7 =	vsub.f32 v7, v4;
	v18 =	vmul.f32 v18, v18;
	v21 =	vmul.f32 v22, v22  }
0xa8: {  	v23 =	vsel vm0, v27, v23;
	v9 =	vmul.f32 v9, v9;
	v11 =	vmin.f32 v16, v15;
	v22 =	vld [tilespmem:s10+$0xFFFFFF00]  }
0xa9: {  	s20 =	sadd.s32 $0x200, s3;
	[tilespmem:s6+$0xFFFFFFE0] =	vst v8;
	v8 =	vld [tilespmem:s9+$0x20];
	v16 =	vmul.f32 v17, v17;
	v12 =	vsub.f32 v12, v5;
	v15 =	vadd.f32 v18, v21  }
0xaa: {  	v20 =	vld [tilespmem:s20+$0xFFFFFF80];
	v28 =	vmul.f32 v13, v13;
	v14 =	vmul.f32 v7, v7;
	vm1 =	vgt.f32 v38, v23  }
0xab: {  	v18 =	vld [tilespmem:s13+$0xFFFFFF80];
	v21 =	vsub.f32 v36, v6;
	v61 =	vmul.f32 v12, v12;
	v15 =	vadd.f32 v16, v15  }
0xac: {  	v13 =	vld [tilespmem:s9+$0xFFFFFFD0];
	v16 =	vsub.f32 v25, v6;
	v25 =	vsub.f32 v30, v4;
	v30 =	vmul.f32 v19, v19  }
0xad: {  	v19 =	vsel vm1, v38, v23;
	v23 =	vld [tilespmem:s17+$0x0];
	v21 =	vmul.f32 v21, v21;
	v22 =	vsub.f32 v22, v5  }
0xae: {  	[tilespmem:s6+$0xFFFFFFD0] =	vst v24;
	v7 =	vld [tilespmem:s9+$0x10];
	vm0 =	vgt.f32 v10, v19;
	v24 =	vadd.f32 v28, v61;
	v40 =	vmul.f32 v25, v25  }
0xaf: {  	s18 =	simm.s32 $0x4;
	v25 =	vsub.f32 v59, v5;
	v16 =	vmul.f32 v16, v16;
	v12 =	vmin.f32 v15, v60;
	v15 =	vld [tilespmem:s17+$0x80]  }
0xb0: {  	[tilespmem:s6+$0xFFFFFFF0] =	vst v27;
	v17 =	vld [tilespmem:s9+$0xFFFFFFC0];
	v62 =	vsel vm0, v10, v19;
	v19 =	vsel vm1, s18, v37;
	v18 =	vsub.f32 v18, v6  }
0xb1: {  	[tilespmem:s6+$0x10] =	vst v10;
	v10 =	vld [tilespmem:s9+$0x30];
	v27 =	vmul.f32 v22, v22;
	v30 =	vadd.f32 v16, v30;
	v16 =	vadd.f32 v21, v57  }
0xb2: {  	[tilespmem:s6+$0x0] =	vst v38;
	vm1 =	vgt.f32 v32, v62;
	v21 =	vld [tilespmem:s20+$0x0];
	v18 =	vmul.f32 v18, v18;
	v63 =	vsub.f32 v23, v6  }
0xb3: {  	s24 =	simm.s32 $0x5;
	s25 =	simm.s32 $0x8;
	[tilespmem:s6+$0x20] =	vst v32;
	v22 =	vmul.f32 v25, v25;
	v25 =	vld [tilespmem:s9+$0xFFFFFFE0];
	v26 =	vadd.f32 v26, v27;
	v28 =	vadd.f32 v31, v16  }
0xb4: {  	s12 =	simm.s32 $0xD;
	s16 =	simm.s32 $0x6;
	s11 =	simm.s32 $0x40C0;
	[tilespmem:s6+$0x30] =	vst v11;
	v23 =	vld [tilespmem:s20+$0x80];
	v27 =	vmul.f32 v39, v39;
	v31 =	vadd.f32 v18, v29;
	v16 =	vsub.f32 v15, v4  }
0xb5: {  	s6 =	simm.s32 $0x400;
	s13 =	simm.s32 $0x7;
	s17 =	simm.s32 $0x10;
	[tilespmem:s9+$0xFFFFFFF0] =	vst v12;
	v18 =	vld [tilespmem:s9+$0x0];
	v15 =	vadd.f32 v40, v30;
	v30 =	vmul.f32 v63, v63;
	v29 =	vsel vm1, v32, v62  }
.LBB2_5:
0xb6: {  	_ = 	snop  }
0xb7: {  	v32 =	vld.idx.msk [tilespmem:v3+s6+$0x100 ss:$0x1], $0xffff;
	v14 =	vadd.f32 v14, v24;
	v19 =	vsel vm0, s24, v19;
	v9 =	vadd.f32 v9, v31  }
0xb8: {  	v24 =	vld.idx.msk [tilespmem:v3+s6+$0x0 ss:$0x1], $0xffff;
	s18 =	sadd.s32 s31, s6;
	vm0 =	vgt.f32 v11, v29;
	v22 =	vadd.f32 v30, v22;
	v26 =	vadd.f32 v27, v26  }
0xb9: {  	s14 =	sadd.s32 s1, s6;
	v27 =	vld [tilespmem:s18+$0xFFFFFF80];
	v11 =	vsel vm0, v11, v29;
	v19 =	vsel vm1, s16, v19;
	v16 =	vmul.f32 v16, v16  }
0xba: {  	v29 =	vld [tilespmem:s14+$0xFFFFFF00];
	v19 =	vsel vm0, s13, v19;
	s13 =	sadd.s32 s29, s6;
	v17 =	vmin.f32 v28, v17;
	v21 =	vsub.f32 v21, v6  }
0xbb: {  	v30 =	vld [tilespmem:s13+$0x80];
	v23 =	vsub.f32 v23, v4;
	v14 =	vmin.f32 v14, v25;
	v13 =	vmin.f32 v26, v13  }
0xbc: {  	v60 =	vld [tilespmem:s13+$0xFFFFFF80];
	v18 =	vmin.f32 v9, v18;
	v15 =	vmin.f32 v15, v7;
	v7 =	vadd.f32 v16, v22  }
0xbd: {  	v28 =	vld [tilespmem:s18+$0x0];
	[tilespmem:s9+$0xFFFFFFC0] =	vst v17;
	vm2 =	vgt.f32 v17, v11;
	v24 =	vsub.f32 v24, v5;
	v21 =	vmul.f32 v21, v21  }
0xbe: {  	s7 =	smov.u32 s25;
	s15 =	sadd.s32 s0, s6;
	v25 =	vld [tilespmem:s14+$0x0];
	[tilespmem:s9+$0xFFFFFFE0] =	vst v14;
	v11 =	vsel vm2, v17, v11;
	v17 =	vsub.f32 v20, v5;
	v20 =	vsub.f32 v32, v4  }
0xbf: {  	s10 =	rddreg [dreg:$0x3];
	v26 =	vld [tilespmem:s15+$0x0];
	v19 =	vsel vm2, s7, v19;
	v29 =	vsub.f32 v29, v5;
	vm0 =	vgt.f32 v13, v11  }
0xc0: {  	s25 =	smov.u32 s17;
	s8 =	sadd.s32 $0x8, s17;
	s10 =	sshrl.u32 s10, $0x2;
	v23 =	vmul.f32 v23, v23;
	v33 =	vld [tilespmem:s15+$0xFFFFFF00];
	v34 =	vmin.f32 v7, v8;
	v11 =	vsel vm0, v13, v11  }
0xc1: {  	p0 =	slt.u32 s17, $0x38;
	s20 =	sadd.s32 $0x5, s25;
	s17 =	sadd.s32 s10, s6;
	[tilespmem:s9+$0xFFFFFFD0] =	vst v13;
	v24 =	vmul.f32 v24, v24;
	v13 =	vmul.f32 v17, v17;
	v17 =	vld [tilespmem:s18+$0xFFFFFF00];
	vm1 =	vgt.f32 v14, v11  }
0xc2: {  	s24 =	smov.u32 s12;
	s12 =	smov.u32 s20;
	s20 =	sadd.s32 $0x1, s7;
	v31 =	vmul.f32 v20, v20;
	v20 =	vsub.f32 v27, v6;
	v27 =	vld [tilespmem:s17+$0x0];
	v11 =	vsel vm1, v14, v11  }
0xc3: {  	v19 =	vsel vm0, s20, v19;
	v22 =	vsub.f32 v60, v5;
	v14 =	vld [tilespmem:s15+$0xFFFFFF80];
	vm0 =	vgt.f32 v12, v11  }
0xc4: {  	v12 =	vsel vm0, v12, v11;
	v11 =	vadd.f32 v21, v13;
	v13 =	vld.idx.msk [tilespmem:v3+s6+$0x80 ss:$0x1], $0xffff;
	v21 =	vsub.f32 v25, v4  }
0xc5: {  	s18 =	sadd.s32 $0x2, s7;
	v29 =	vmul.f32 v29, v29;
	v28 =	vsub.f32 v28, v4;
	v20 =	vmul.f32 v20, v20;
	v25 =	vld [tilespmem:s13+$0x0]  }
0xc6: {  	v19 =	vsel vm1, s18, v19;
	v17 =	vsub.f32 v17, v5;
	v9 =	vmul.f32 v21, v21;
	v21 =	vld [tilespmem:s17+$0xFFFFFF80]  }
0xc7: {  	s20 =	sadd.s32 $0x3, s7;
	v22 =	vmul.f32 v22, v22;
	v26 =	vsub.f32 v26, v4;
	v11 =	vadd.f32 v23, v11;
	v23 =	vld [tilespmem:s17+$0xFFFFFF00];
	s17 =	sadd.s32 s2, s6  }
0xc8: {  	v7 =	vsub.f32 v33, v5;
	v19 =	vsel vm0, s20, v19;
	v17 =	vmul.f32 v17, v17;
	v61 =	vld [tilespmem:s17+$0xFFFFFF80];
	[tilespmem:s11+$0x20] =	vst v34  }
0xc9: {  	v27 =	vsub.f32 v27, v4;
	vm1 =	vgt.f32 v18, v12;
	v14 =	vsub.f32 v14, v6;
	v63 =	vld [tilespmem:s17+$0x80]  }
0xca: {  	s9 =	sadd.s32 $0x80, s9;
	s18 =	sadd.s32 $0x4, s7;
	v12 =	vsel vm1, v18, v12;
	v11 =	vmin.f32 v11, v10;
	v10 =	vadd.f32 v20, v17;
	v20 =	vld [tilespmem:s14+$0xFFFFFF80]  }
0xcb: {  	v19 =	vsel vm1, s18, v19;
	v16 =	vmul.f32 v14, v14;
	v8 =	vsub.f32 v13, v6;
	v13 =	vld [tilespmem:s9+$0xFFFFFFD0]  }
0xcc: {  	[tilespmem:s11+$0x10] =	vst v15;
	vm0 =	vgt.f32 v15, v12;
	v17 =	vmul.f32 v28, v28;
	v14 =	vmul.f32 v26, v26;
	v26 =	vld [tilespmem:s9+$0xFFFFFFF0]  }
0xcd: {  	v25 =	vsub.f32 v25, v6;
	v28 =	vsub.f32 v30, v4;
	v30 =	vmul.f32 v7, v7;
	v7 =	vld [tilespmem:s9+$0x10]  }
0xce: {  	v27 =	vmul.f32 v27, v27;
	v35 =	vsel vm0, v15, v12;
	[tilespmem:s11+$0x0] =	vst v18;
	v18 =	vld [tilespmem:s17+$0x0];
	v21 =	vsub.f32 v21, v6  }
0xcf: {  	v10 =	vadd.f32 v17, v10;
	v17 =	vld [tilespmem:s9+$0xFFFFFFC0];
	v25 =	vmul.f32 v25, v25;
	v15 =	vmul.f32 v8, v8  }
0xd0: {  	v23 =	vsub.f32 v23, v5;
	v62 =	vmul.f32 v28, v28;
	v8 =	vld [tilespmem:s9+$0x20];
	v28 =	vsub.f32 v61, v5  }
0xd1: {  	s20 =	sadd.s32 s3, s6;
	[tilespmem:s11+$0x30] =	vst v11;
	vm1 =	vgt.f32 v34, v35;
	v36 =	vadd.f32 v25, v22;
	v15 =	vadd.f32 v15, v24;
	v25 =	vld [tilespmem:s9+$0xFFFFFFE0]  }
.Ltmp1:
0xd2: {  	v23 =	vmul.f32 v23, v23;
	v12 =	vmin.f32 v10, v26;
	v10 =	vsub.f32 v20, v6;
	v20 =	vld [tilespmem:s20+$0xFFFFFF80];
	(pc) =	sbr.rel @p0 .LBB2_5-.Ltmp1, $4  }
0xd3: {  	v24 =	vadd.f32 v16, v30;
	v26 =	vmul.f32 v21, v21;
	v21 =	vld [tilespmem:s20+$0x0];
	v30 =	vsub.f32 v18, v6  }
0xd4: {  	v22 =	vmul.f32 v28, v28;
	v18 =	vld [tilespmem:s9+$0x0];
	v28 =	vadd.f32 v31, v15;
	v16 =	vmul.f32 v10, v10  }
0xd5: {  	s16 =	sadd.s32 $0x6, s7;
	s13 =	sadd.s32 $0x7, s7;
	v15 =	vadd.f32 v62, v36;
	v10 =	vld [tilespmem:s9+$0x30];
	v26 =	vadd.f32 v26, v23;
	v30 =	vmul.f32 v30, v30  }
0xd6: {  	s6 =	sadd.s32 $0x200, s6;
	s11 =	smov.u32 s9;
	s17 =	smov.u32 s8;
	[tilespmem:s9+$0xFFFFFFF0] =	vst v12;
	v23 =	vld [tilespmem:s20+$0x80];
	v31 =	vadd.f32 v16, v29;
	v16 =	vsub.f32 v63, v4;
	v29 =	vsel vm1, v34, v35  }
0xd7: {  	vm2 =	vgt.f32 v11, v29  }
0xd8: {  	v17 =	vmin.f32 v28, v17;
	v26 =	vadd.f32 v27, v26;
	v11 =	vsel vm2, v11, v29  }
0xd9: {  	vm3 =	vgt.f32 v17, v11  }
0xda: {  	v14 =	vadd.f32 v14, v24;
	v13 =	vmin.f32 v26, v13;
	v11 =	vsel vm3, v17, v11  }
0xdb: {  	vm4 =	vgt.f32 v13, v11  }
0xdc: {  	v5 =	vsub.f32 v20, v5;
	v14 =	vmin.f32 v14, v25;
	v11 =	vsel vm4, v13, v11  }
0xdd: {  	v9 =	vadd.f32 v9, v31;
	v6 =	vsub.f32 v21, v6;
	vm5 =	vgt.f32 v14, v11  }
0xde: {  	v20 =	vadd.f32 v30, v22;
	v5 =	vmul.f32 v5, v5;
	v11 =	vsel vm5, v14, v11  }
0xdf: {  	v6 =	vmul.f32 v6, v6;
	v9 =	vmin.f32 v9, v18;
	vm6 =	vgt.f32 v12, v11  }
0xe0: {  	v4 =	vsub.f32 v23, v4;
	v11 =	vsel vm6, v12, v11;
	v12 =	vmul.f32 v16, v16  }
0xe1: {  	v5 =	vadd.f32 v6, v5;
	v6 =	vmin.f32 v15, v7;
	vm7 =	vgt.f32 v9, v11  }
0xe2: {  	v4 =	vmul.f32 v4, v4;
	v7 =	vadd.f32 v12, v20;
	v11 =	vsel vm7, v9, v11  }
0xe3: {  	vm8 =	vgt.f32 v6, v11  }
0xe4: {  	v4 =	vadd.f32 v4, v5;
	v5 =	vmin.f32 v7, v8;
	v7 =	vsel vm8, v6, v11  }
0xe5: {  	v8 =	vsel vm0, s24, v19;
	vm0 =	vgt.f32 v5, v7  }
0xe6: {  	v10 =	vmin.f32 v4, v10;
	v8 =	vsel vm1, s16, v8;
	v4 =	vsel vm0, v5, v7  }
0xe7: {  	v7 =	vsel vm2, s13, v8;
	vm1 =	vgt.f32 v10, v4  }
0xe8: {  	s6 =	sadd.s32 $0x1, s25;
	v7 =	vsel vm3, s25, v7;
	v8 =	vsel vm1, v10, v4  }
0xe9: {  	s24 =	sadd.s32 $0x2, s25;
	v4 =	vsel vm4, s6, v7;
	(xrf0) =	vmax.scan.msk.f32 $0xffff, v8  }
0xea: {  	s7 =	sadd.s32 $0x3, s25;
	v4 =	vsel vm5, s24, v4  }
0xeb: {  	s8 =	sadd.s32 $0x4, s25;
	v4 =	vsel vm6, s7, v4  }
0xec: {  	v4 =	vsel vm7, s8, v4  }
0xed: {  	s13 =	sadd.s32 $0x6, s25;
	v4 =	vsel vm8, s12, v4  }
0xee: {  	s7 =	sadd.s32 $0x7, s25;
	v4 =	vsel vm0, s13, v4  }
0xef: {  	v4 =	vsel vm1, s7, v4;
	v7, _, _ =	vpop (xrf0)  }
0xf0: {  	v4 =	vshll.u32 v4, $0x4;
	v7 =	vbroadcast v7, $0xF  }
0xf1: {  	v11 =	vadd.s32 v0, v4;
	v4 =	vor.u32 $0x80000000, v2  }
0xf2: {  	vm0 =	veq.f32 v8, v7;
	v8 =	vxor.u32 v4, v11  }
0xf3: {  	v8 =	vnsel vm0, $0xC0000000, v8  }
0xf4: {  	(xrf0) =	vmin.scan.msk.u32 $0xffff, v8;
	_ =	sdelay $0x5  }
0xf5: {  	v8, _, _ =	vpop (xrf0)  }
0xf6: {  	(v2sf) =	vpush v8, $0xF;
	_ =	sdelay $0xb  }
0xf7: {  	[tilespmem:s9+$0xFFFFFFC0] =	vst v17  }
0xf8: {  	[tilespmem:s9+$0xFFFFFFE0] =	vst v14  }
0xf9: {  	[tilespmem:s9+$0xFFFFFFD0] =	vst v13  }
0xfa: {  	[tilespmem:s11+$0x0] =	vst v9;
	s14 =	spop (v2sf)  }
0xfb: {  	[tilespmem:s11+$0x10] =	vst v6;
	s6 =	sxor.u32 $0x80000000, s14  }
0xfc: {  	[tilespmem:s11+$0x20] =	vst v5;
	v5 =	vmov s6  }
0xfd: {  	[tilespmem:s11+$0x30] =	vst v10;
	v5 =	vbroadcast v5, $0x0  }
0xfe: {  	[tilespmem:$0x9680] =	vst v7  }
0xff: {  	s15 =	rddreg [dreg:$0x5];
	s12 =	simm.s32 $0x9680;
	[tilespmem:$0x9700] =	vst v5  }
0x100: {  	[spmem:s15] =	stream.linear.scatter [tilespmem:s12], [sflag:$0x1], $0x100, $0x38;
	[tilespmem:$0x9C00] =	vst v63  }
0x101: {  	_ =	swait.ge [sflag:s19], $0x100  }
0x102: {  	[sflag:s19] =	ssyncset.done $0x0  }
0x103: {  	[sflag:s19] =	ssyncadd.s32 $0xFFFFFF00  }
0x104: {  	[bflag:$0x0] =	sbarrier.arrive $0xFFFF  }
0x105: {  	s16 =	rddreg [dreg:$0x6]  }
0x106: {  	[tilespmem:s21], [sflag:$0x1] =	stream.linear.gather [spmem:s16], $0x400, $0x38;
	[tilespmem:$0x9C00] =	vst v63  }
0x107: {  	_ =	swait.ge [sflag:s19], $0x400  }
0x108: {  	[sflag:s19] =	ssyncset.done $0x0  }
0x109: {  	[sflag:s19] =	ssyncadd.s32 $0xFFFFFC00  }
0x10a: {  	v5 =	vld [tilespmem:$0x9780]  }
0x10b: {  	v6 =	vld [tilespmem:$0x9880]  }
0x10c: {  	v7 =	vld [tilespmem:$0x9980]  }
0x10d: {  	v8 =	vld [tilespmem:$0x9A80];
	_ =	sdelay $0x1  }
0x10e: {  	v9 =	vld [tilespmem:$0x9A00]  }
0x10f: {  	v10 =	vld [tilespmem:$0x9B00]  }
0x110: {  	v11 =	vld [tilespmem:$0x9900]  }
0x111: {  	v12 =	vld [tilespmem:$0x9800];
	v13 =	vmax.f32 v5, v6;
	v8 =	vmax.f32 v7, v8  }
0x112: {  	v8 =	vmax.f32 v13, v8  }
0x113: {  	vm0 =	veq.f32 v7, v8  }
0x114: {  	s17 =	sor.u32 $0x1, s30;
	vm1 =	veq.f32 v6, v8;
	v6 =	vsel vm0, v9, v10  }
0x115: {  	v7 =	vmov s17;
	vm0 =	veq.f32 v5, v8;
	v5 =	vsel vm1, v11, v6  }
0x116: {  	v9 =	vmov s1;
	v5 =	vsel vm0, v12, v5  }
0x117: {  	v10 =	vmov s31;
	vm0 =	vgt.s32 v5, $0x0  }
0x118: {  	v5 =	vnsel vm0, $0x0, v5  }
0x119: {  	v5 =	vmin.u32 v5, $0xFFF  }
0x11a: {  	s30 =	simm.s32 $0x0;
	v13 =	vmov s2;
	[tilespmem:v7+s22+$0x0] =	vst.idx.msk $0x1, v5  }
0x11b: {  	v16 =	vld.idx.msk [tilespmem:v9+s30+$0xFFFFFF00 ss:$0x1], $0xffff  }
0x11c: {  	v17 =	vld.idx.msk [tilespmem:v10+s30+$0xFFFFFF00 ss:$0x1], $0xffff  }
0x11d: {  	v18 =	vld.idx.msk [tilespmem:v10+s30+$0xFFFFFF80 ss:$0x1], $0xffff  }
0x11e: {  	v19 =	vld.idx.msk [tilespmem:v9+s30+$0xFFFFFF80 ss:$0x1], $0xffff  }
0x11f: {  	v22 =	vld.idx.msk [tilespmem:v13+s30+$0x80 ss:$0x1], $0xffff  }
0x120: {  	v25 =	vld.idx.msk [tilespmem:v3+s30+$0x100 ss:$0x1], $0xffff  }
0x121: {  	v27 =	vld.idx.msk [tilespmem:v3+s30+$0x80 ss:$0x1], $0xffff  }
0x122: {  	v6 =	vshll.u32 v5, $0x2;
	v28 =	vld.idx.msk [tilespmem:v3+s30+$0x0 ss:$0x1], $0xffff  }
0x123: {  	s18 =	simm.s32 $0x4040;
	v14 =	vmov s29;
	v8 =	vand.u32 $0x7F, v5;
	v6 =	vand.u32 $0x3E00, v6;
	v30 =	vld.idx.msk [tilespmem:v10+s30+$0x0 ss:$0x1], $0xffff  }
0x124: {  	v31 =	vld [tilespmem:s18+$0xFFFFFFC0];
	v6 =	vor.u32 v8, v6  }
0x125: {  	v32 =	vld [tilespmem:s18+$0xFFFFFFE0];
	v8 =	vmov s10  }
0x126: {  	v34 =	vld [tilespmem:s18+$0xFFFFFFD0]  }
0x127: {  	v36 =	vld.idx.msk [tilespmem:v9+s30+$0x0 ss:$0x1], $0xffff;
	v11 =	vor.u32 $0x80, v6  }
0x128: {  	v37 =	vld.idx.msk [tilespmem:v14+s30+$0xFFFFFF80 ss:$0x1], $0xffff;
	v12 =	vor.u32 $0x100, v6  }
0x129: {  	v6 =	vld.idx.msk [tilespmem:v6+s30+$0x0], $0xffff  }
0x12a: {  	v26 =	vld.idx.msk [tilespmem:v8+s30+$0xFFFFFF00 ss:$0x1], $0xffff  }
0x12b: {  	v15 =	vld.idx.msk [tilespmem:v8+s30+$0xFFFFFF80 ss:$0x1], $0xffff  }
0x12c: {  	v7 =	vld.idx.msk [tilespmem:v11+s30+$0x0], $0xffff  }
0x12d: {  	v5 =	vld.idx.msk [tilespmem:v12+s30+$0x0], $0xffff  }
0x12e: {  	v24 =	vld.idx.msk [tilespmem:v8+s30+$0x0 ss:$0x1], $0xffff  }
0x12f: {  	v38 =	vld.idx.msk [tilespmem:v14+s30+$0x0 ss:$0x1], $0xffff;
	v17 =	vsub.f32 v17, v6;
	v26 =	vsub.f32 v26, v6  }
0x130: {  	v40 =	vld.idx.msk [tilespmem:v13+s30+$0x0 ss:$0x1], $0xffff;
	v11 =	vmov s0;
	v16 =	vsub.f32 v16, v6;
	v28 =	vsub.f32 v28, v6  }
0x131: {  	v41 =	vld.idx.msk [tilespmem:v13+s30+$0xFFFFFF80 ss:$0x1], $0xffff;
	v37 =	vsub.f32 v37, v6;
	v15 =	vsub.f32 v15, v7  }
0x132: {  	v33 =	vimm.s32 $0x0;
	s20 =	simm.s32 $0x200;
	v42 =	vld.idx.msk [tilespmem:v14+s30+$0x80 ss:$0x1], $0xffff;
	v22 =	vsub.f32 v22, v5;
	v25 =	vsub.f32 v25, v5  }
0x133: {  	v35 =	vimm.f32 $-1.000000000e+00;
	v63 =	vld.idx.msk [tilespmem:v8+s20+$0x0 ss:$0x1], $0xffff;
	v24 =	vsub.f32 v24, v5;
	v19 =	vsub.f32 v19, v7  }
0x134: {  	v46 =	vld.idx.msk [tilespmem:v14+s20+$0x0 ss:$0x1], $0xffff;
	v12 =	vmov s3;
	v27 =	vsub.f32 v27, v7;
	v30 =	vsub.f32 v30, v5  }
0x135: {  	v20 =	vld.idx.msk [tilespmem:v11+s30+$0x0 ss:$0x1], $0xffff;
	v18 =	vsub.f32 v18, v7;
	v17 =	vmul.f32 v17, v17;
	v26 =	vmul.f32 v26, v26  }
0x136: {  	v23 =	vld.idx.msk [tilespmem:v11+s30+$0xFFFFFF00 ss:$0x1], $0xffff;
	v36 =	vsub.f32 v36, v5;
	v16 =	vmul.f32 v16, v16;
	v28 =	vmul.f32 v28, v28  }
0x137: {  	v29 =	vld.idx.msk [tilespmem:v11+s30+$0xFFFFFF80 ss:$0x1], $0xffff;
	v57 =	vsub.f32 v38, v7;
	v37 =	vmul.f32 v37, v37;
	v15 =	vmul.f32 v15, v15  }
0x138: {  	v43 =	vld [tilespmem:s18+$0x30];
	v52 =	vsub.f32 v63, v5;
	v19 =	vmul.f32 v19, v19;
	v27 =	vmul.f32 v27, v27  }
0x139: {  	v21 =	vld.idx.msk [tilespmem:v12+s30+$0xFFFFFF80 ss:$0x1], $0xffff;
	v46 =	vsub.f32 v46, v7;
	v25 =	vmul.f32 v25, v25;
	v18 =	vmul.f32 v18, v18  }
0x13a: {  	v44 =	vld [tilespmem:s18+$0xFFFFFFF0];
	v24 =	vmul.f32 v24, v24;
	v15 =	vadd.f32 v15, v26;
	v16 =	vadd.f32 v19, v16  }
0x13b: {  	v39 =	vld.idx.msk [tilespmem:v12+s30+$0x0 ss:$0x1], $0xffff;
	v30 =	vmul.f32 v30, v30;
	v17 =	vadd.f32 v18, v17;
	v23 =	vsub.f32 v23, v6  }
0x13c: {  	v26 =	vld [tilespmem:s18+$0x0];
	v19 =	vmul.f32 v36, v36;
	v20 =	vsub.f32 v20, v5;
	v29 =	vsub.f32 v29, v7  }
0x13d: {  	v48 =	vld.idx.msk [tilespmem:v3+s20+$0x100 ss:$0x1], $0xffff;
	v27 =	vadd.f32 v27, v28;
	v15 =	vadd.f32 v24, v15;
	v23 =	vmul.f32 v23, v23  }
0x13e: {  	v51 =	vld.idx.msk [tilespmem:v10+s20+$0x0 ss:$0x1], $0xffff;
	v21 =	vsub.f32 v21, v6;
	v20 =	vmul.f32 v20, v20;
	v28 =	vmul.f32 v29, v29  }
0x13f: {  	v24 =	vld.idx.msk [tilespmem:v12+s30+$0x80 ss:$0x1], $0xffff;
	v34 =	vmin.f32 v15, v34;
	v15 =	vadd.f32 v19, v16;
	v16 =	vadd.f32 v30, v17  }
0x140: {  	v59 =	vld.idx.msk [tilespmem:v10+s20+$0xFFFFFF80 ss:$0x1], $0xffff;
	v19 =	vmul.f32 v57, v57;
	v23 =	vadd.f32 v28, v23;
	v28 =	vsub.f32 v39, v7  }
0x141: {  	v17 =	vld.idx.msk [tilespmem:v8+s20+$0xFFFFFF80 ss:$0x1], $0xffff;
	v26 =	vmin.f32 v15, v26;
	v15 =	vadd.f32 v25, v27;
	v27 =	vsub.f32 v41, v6  }
0x142: {  	v30 =	vld.idx.msk [tilespmem:v9+s20+$0xFFFFFF00 ss:$0x1], $0xffff;
	v58 =	vmin.f32 v16, v44;
	v16 =	vsub.f32 v40, v7;
	v19 =	vadd.f32 v19, v37  }
0x143: {  	v61 =	vld.idx.msk [tilespmem:v13+s20+$0x80 ss:$0x1], $0xffff;
	v22 =	vmul.f32 v22, v22;
	v37 =	vsub.f32 v48, v5;
	v40 =	vsub.f32 v51, v5  }
0x144: {  	v60 =	vld.idx.msk [tilespmem:v12+s20+$0xFFFFFF80 ss:$0x1], $0xffff;
	v21 =	vmul.f32 v21, v21;
	v20 =	vadd.f32 v20, v23;
	v24 =	vsub.f32 v24, v5  }
0x145: {  	v25 =	vld.idx.msk [tilespmem:v10+s20+$0xFFFFFF00 ss:$0x1], $0xffff;
	v39 =	vmin.f32 v15, v31;
	v15 =	vsub.f32 v42, v5;
	v23 =	vmul.f32 v27, v27  }
0x146: {  	v50 =	vld.idx.msk [tilespmem:v3+s20+$0x0 ss:$0x1], $0xffff;
	v16 =	vmul.f32 v16, v16;
	vm2 =	vgt.f32 v39, v35;
	v17 =	vsub.f32 v17, v7  }
0x147: {  	v31 =	vld.idx.msk [tilespmem:v9+s20+$0xFFFFFF80 ss:$0x1], $0xffff;
	v62 =	vmin.f32 v20, v32;
	v20 =	vmul.f32 v28, v28;
	v57 =	vsub.f32 v30, v6  }
0x148: {  	v27 =	vld.idx.msk [tilespmem:v11+s20+$0x0 ss:$0x1], $0xffff;
	v32 =	vmul.f32 v37, v37;
	v35 =	vsel vm2, v39, v35;
	v15 =	vmul.f32 v15, v15  }
0x149: {  	v49 =	vld.idx.msk [tilespmem:v8+s20+$0xFFFFFF00 ss:$0x1], $0xffff;
	v16 =	vadd.f32 v16, v23;
	v23 =	vsub.f32 v60, v6;
	v28 =	vmul.f32 v17, v17  }
0x14a: {  	v29 =	vld [tilespmem:s18+$0x10];
	vm0 =	vgt.f32 v34, v35;
	v20 =	vadd.f32 v20, v21;
	v25 =	vsub.f32 v25, v6  }
0x14b: {  	s0 =	simm.s32 $0x40C0;
	v18 =	vld [tilespmem:s18+$0x20];
	v60 =	vmul.f32 v57, v57;
	v35 =	vsel vm0, v34, v35;
	v15 =	vadd.f32 v15, v19  }
0x14c: {  	v54 =	vld [tilespmem:s0+$0xFFFFFFD0];
	[tilespmem:s18+$0xFFFFFFD0] =	vst v34;
	v19 =	vmul.f32 v24, v24;
	v16 =	vadd.f32 v22, v16;
	v22 =	vsel vm2, s30, v33  }
0x14d: {  	s24 =	simm.s32 $0x1;
	v17 =	vld.idx.msk [tilespmem:v11+s20+$0xFFFFFF00 ss:$0x1], $0xffff;
	vm1 =	vgt.f32 v62, v35;
	v27 =	vsub.f32 v27, v5;
	v31 =	vsub.f32 v31, v7  }
0x14e: {  	v36 =	vld [tilespmem:s0+$0x0];
	[tilespmem:s18+$0xFFFFFFF0] =	vst v58;
	v22 =	vsel vm0, s24, v22;
	v25 =	vmul.f32 v25, v25;
	v21 =	vsel vm1, v62, v35  }
0x14f: {  	v30 =	vld.idx.msk [tilespmem:v13+s20+$0xFFFFFF80 ss:$0x1], $0xffff;
	v33 =	vmin.f32 v15, v29;
	v19 =	vadd.f32 v19, v20;
	v15 =	vmul.f32 v23, v23  }
0x150: {  	v24 =	vld.idx.msk [tilespmem:v3+s20+$0x80 ss:$0x1], $0xffff;
	v45 =	vmin.f32 v16, v18;
	v16 =	vsub.f32 v61, v5;
	vm3 =	vgt.f32 v58, v21  }
0x151: {  	v37 =	vld [tilespmem:s0+$0xFFFFFFF0];
	[tilespmem:s18+$0xFFFFFFE0] =	vst v62;
	v35 =	vsub.f32 v50, v6;
	v62 =	vmul.f32 v40, v40;
	v21 =	vsel vm3, v58, v21  }
0x152: {  	v20 =	vld.idx.msk [tilespmem:v11+s20+$0xFFFFFF80 ss:$0x1], $0xffff;
	v55 =	vmul.f32 v31, v31;
	v29 =	vsub.f32 v17, v6;
	vm2 =	vgt.f32 v26, v21  }
0x153: {  	v31 =	vld.idx.msk [tilespmem:v12+s20+$0x0 ss:$0x1], $0xffff;
	v18 =	vmin.f32 v19, v43;
	v58 =	vsub.f32 v59, v7;
	v53 =	vsel vm2, v26, v21  }
0x154: {  	v23 =	vmul.f32 v29, v29;
	v21 =	vmul.f32 v27, v27;
	v27 =	vld.idx.msk [tilespmem:v9+s20+$0x0 ss:$0x1], $0xffff;
	v29 =	vsub.f32 v49, v6  }
0x155: {  	s25 =	simm.s32 $0x2;
	[tilespmem:s18+$0x0] =	vst v26;
	v19 =	vld [tilespmem:s0+$0xFFFFFFC0];
	v59 =	vmul.f32 v52, v52;
	v35 =	vmul.f32 v35, v35;
	v24 =	vsub.f32 v24, v7  }
0x156: {  	s29 =	simm.s32 $0x3;
	[tilespmem:s18+$0xFFFFFFC0] =	vst v39;
	v17 =	vld [tilespmem:s0+$0xFFFFFFE0];
	v26 =	vsel vm1, s25, v22;
	v61 =	vmul.f32 v58, v58;
	v29 =	vmul.f32 v29, v29  }
0x157: {  	[tilespmem:s18+$0x20] =	vst v45;
	v22 =	vld.idx.msk [tilespmem:v14+s20+$0xFFFFFF80 ss:$0x1], $0xffff;
	v56 =	vsel vm3, s29, v26;
	vm0 =	vgt.f32 v33, v53;
	v24 =	vmul.f32 v24, v24  }
0x158: {  	s31 =	simm.s32 $0x4;
	v26 =	vld.idx.msk [tilespmem:v13+s20+$0x0 ss:$0x1], $0xffff;
	v48 =	vsub.f32 v20, v7;
	v47 =	vsel vm0, v33, v53;
	v29 =	vadd.f32 v28, v29  }
0x159: {  	[tilespmem:s18+$0x10] =	vst v33;
	v20 =	vld [tilespmem:s0+$0x30];
	v25 =	vadd.f32 v61, v25;
	v34 =	vsel vm2, s31, v56;
	v27 =	vsub.f32 v27, v5  }
0x15a: {  	v35 =	vadd.f32 v24, v35;
	vm1 =	vgt.f32 v45, v47;
	v28 =	vld.idx.msk [tilespmem:v14+s20+$0x80 ss:$0x1], $0xffff;
	v29 =	vadd.f32 v59, v29  }
0x15b: {  	[tilespmem:s18+$0x30] =	vst v18;
	v24 =	vadd.f32 v55, v60;
	v39 =	vadd.f32 v62, v25;
	v25 =	vld [tilespmem:s0+$0x10];
	v63 =	vmul.f32 v27, v27  }
0x15c: {  	s9 =	simm.s32 $0x5;
	s6 =	simm.s32 $0x10;
	s2 =	simm.s32 $0x8;
	v33 =	vmul.f32 v46, v46;
	v38 =	vsel vm1, v45, v47;
	v27 =	vld.idx.msk [tilespmem:v12+s20+$0x80 ss:$0x1], $0xffff;
	v29 =	vmin.f32 v29, v54  }
0x15d: {  	s1 =	simm.s32 $0x40C0;
	s10 =	simm.s32 $0x400;
	s3 =	simm.s32 $0xD;
	v40 =	vmul.f32 v48, v48;
	vm2 =	vgt.f32 v18, v38;
	v41 =	vadd.f32 v63, v24;
	v24 =	vld [tilespmem:s0+$0x20];
	[tilespmem:s0+$0xFFFFFFD0] =	vst v29  }
.LBB2_7:
0x15e: {  	p0 =	slt.u32 s6, $0x38  }
0x15f: {  	v42 =	vld.idx.msk [tilespmem:v8+s10+$0xFFFFFF80 ss:$0x1], $0xffff;
	v23 =	vadd.f32 v40, v23;
	v36 =	vmin.f32 v41, v36;
	v31 =	vsub.f32 v31, v7;
	s0 =	sadd.s32 $0x80, s0;
	s7 =	smov.u32 s6;
	s6 =	sadd.s32 $0x8, s6  }
0x160: {  	v32 =	vadd.f32 v32, v35;
	v34 =	vsel vm0, s9, v34;
	s8 =	sadd.s32 $0x6, s30;
	s9 =	smov.u32 s3;
	v40 =	vld.idx.msk [tilespmem:v9+s10+$0xFFFFFF00 ss:$0x1], $0xffff;
	v35 =	vmin.f32 v39, v37;
	[tilespmem:s1+$0x0] =	vst v36;
	s3 =	sadd.s32 $0x5, s7  }
0x161: {  	v30 =	vsub.f32 v30, v6;
	v26 =	vsub.f32 v26, v7;
	v34 =	vsel vm1, s8, v34;
	v37 =	vld.idx.msk [tilespmem:v10+s10+$0xFFFFFF00 ss:$0x1], $0xffff;
	[tilespmem:s1+$0xFFFFFFF0] =	vst v35  }
0x162: {  	v22 =	vsub.f32 v22, v6;
	v28 =	vsub.f32 v28, v5;
	s8 =	sadd.s32 $0x7, s30;
	s30 =	smov.u32 s2;
	s2 =	smov.u32 s7;
	v19 =	vmin.f32 v32, v19;
	v39 =	vld.idx.msk [tilespmem:v10+s10+$0xFFFFFF80 ss:$0x1], $0xffff  }
0x163: {  	v18 =	vsel vm2, v18, v38;
	v21 =	vadd.f32 v21, v23;
	v23 =	vmul.f32 v30, v30;
	v32 =	vld.idx.msk [tilespmem:v9+s10+$0xFFFFFF80 ss:$0x1], $0xffff  }
0x164: {  	v16 =	vmul.f32 v16, v16;
	v34 =	vsel vm2, s8, v34;
	vm4 =	vgt.f32 v19, v18;
	v30 =	vld.idx.msk [tilespmem:v11+s10+$0x0 ss:$0x1], $0xffff;
	[tilespmem:s1+$0xFFFFFFC0] =	vst v19  }
0x165: {  	v22 =	vmul.f32 v22, v22;
	v26 =	vmul.f32 v26, v26;
	v38 =	vsub.f32 v42, v7;
	v41 =	vld.idx.msk [tilespmem:v12+s10+$0xFFFFFF80 ss:$0x1], $0xffff  }
0x166: {  	v18 =	vsel vm4, v19, v18;
	v17 =	vmin.f32 v21, v17;
	v19 =	vmul.f32 v31, v31;
	v42 =	vld.idx.msk [tilespmem:v13+s10+$0x80 ss:$0x1], $0xffff  }
0x167: {  	v28 =	vmul.f32 v28, v28;
	vm0 =	vgt.f32 v29, v18;
	v38 =	vmul.f32 v38, v38;
	v21 =	vld.idx.msk [tilespmem:v11+s10+$0xFFFFFF00 ss:$0x1], $0xffff  }
0x168: {  	v27 =	vsub.f32 v27, v5;
	v22 =	vadd.f32 v33, v22;
	v18 =	vsel vm0, v29, v18;
	v31 =	vld.idx.msk [tilespmem:v8+s10+$0x0 ss:$0x1], $0xffff  }
0x169: {  	v23 =	vadd.f32 v26, v23;
	vm1 =	vgt.f32 v17, v18;
	v15 =	vadd.f32 v19, v15;
	v29 =	vld.idx.msk [tilespmem:v3+s10+$0x100 ss:$0x1], $0xffff  }
0x16a: {  	v19 =	vadd.f32 v28, v22;
	v22 =	vmul.f32 v27, v27;
	v18 =	vsel vm1, v17, v18;
	v26 =	vld.idx.msk [tilespmem:v8+s10+$0xFFFFFF00 ss:$0x1], $0xffff  }
0x16b: {  	v16 =	vadd.f32 v16, v23;
	vm3 =	vgt.f32 v35, v18;
	v28 =	vsub.f32 v41, v6;
	v27 =	vld.idx.msk [tilespmem:v3+s10+$0x80 ss:$0x1], $0xffff  }
0x16c: {  	v34 =	vsel vm4, s30, v34;
	v25 =	vmin.f32 v19, v25;
	v33 =	vld.idx.msk [tilespmem:v3+s10+$0x0 ss:$0x1], $0xffff;
	[tilespmem:s1+$0xFFFFFFE0] =	vst v17;
	v17 =	vadd.f32 v22, v15  }
0x16d: {  	v43 =	vmin.f32 v16, v24;
	v21 =	vsub.f32 v21, v6;
	v15 =	vmul.f32 v28, v28;
	v41 =	vld.idx.msk [tilespmem:v11+s10+$0xFFFFFF80 ss:$0x1], $0xffff  }
0x16e: {  	v16 =	vsub.f32 v42, v5;
	v22 =	vsel vm3, v35, v18;
	v24 =	vld.idx.msk [tilespmem:v10+s10+$0x0 ss:$0x1], $0xffff;
	v18 =	vmin.f32 v17, v20  }
0x16f: {  	v28 =	vsub.f32 v30, v5;
	vm2 =	vgt.f32 v36, v22;
	v20 =	vsub.f32 v29, v5;
	v19 =	vld [tilespmem:s0+$0xFFFFFFC0];
	[tilespmem:s1+$0x30] =	vst v18  }
0x170: {  	s7 =	sadd.s32 $0x1, s30;
	v30 =	vsub.f32 v32, v7;
	v29 =	vsub.f32 v31, v5;
	v32 =	vsel vm2, v36, v22;
	v17 =	vld [tilespmem:s0+$0xFFFFFFE0];
	[tilespmem:s1+$0x20] =	vst v43  }
0x171: {  	v23 =	vmul.f32 v21, v21;
	v21 =	vmul.f32 v28, v28;
	v22 =	vsel vm0, s7, v34;
	s7 =	sadd.s32 $0x2, s30;
	v42 =	vld [tilespmem:s0+$0xFFFFFFD0];
	[tilespmem:s1+$0x10] =	vst v25;
	s1 =	smov.u32 s0  }
0x172: {  	v28 =	vsub.f32 v37, v6;
	v31 =	vsel vm1, s7, v22;
	s7 =	sadd.s32 $0x3, s30;
	v27 =	vsub.f32 v27, v7;
	v34 =	vld.idx.msk [tilespmem:v9+s10+$0x0 ss:$0x1], $0xffff  }
0x173: {  	v44 =	vmul.f32 v30, v30;
	v26 =	vsub.f32 v26, v6;
	v45 =	vsel vm3, s7, v31;
	v22 =	vld.idx.msk [tilespmem:v14+s10+$0xFFFFFF80 ss:$0x1], $0xffff  }
0x174: {  	vm0 =	vgt.f32 v25, v32;
	v46 =	vmul.f32 v28, v28;
	v28 =	vsub.f32 v40, v6;
	v35 =	vld.idx.msk [tilespmem:v14+s10+$0x0 ss:$0x1], $0xffff  }
0x175: {  	v30 =	vmul.f32 v26, v26;
	v25 =	vsel vm0, v25, v32;
	v24 =	vsub.f32 v24, v5;
	v31 =	vld.idx.msk [tilespmem:v12+s10+$0x0 ss:$0x1], $0xffff  }
0x176: {  	v32 =	vmul.f32 v20, v20;
	v20 =	vsub.f32 v39, v7;
	v27 =	vmul.f32 v27, v27;
	v26 =	vld.idx.msk [tilespmem:v13+s10+$0x0 ss:$0x1], $0xffff  }
0x177: {  	v33 =	vsub.f32 v33, v6;
	v36 =	vadd.f32 v38, v30;
	v38 =	vmul.f32 v28, v28;
	v30 =	vld.idx.msk [tilespmem:v13+s10+$0xFFFFFF80 ss:$0x1], $0xffff  }
0x178: {  	v29 =	vmul.f32 v29, v29;
	v39 =	vsub.f32 v41, v7;
	v40 =	vmul.f32 v20, v20;
	v28 =	vld.idx.msk [tilespmem:v14+s10+$0x80 ss:$0x1], $0xffff  }
0x179: {  	v33 =	vmul.f32 v33, v33;
	v47 =	vmul.f32 v24, v24;
	v24 =	vsub.f32 v34, v5;
	v20 =	vld [tilespmem:s0+$0x30]  }
.Ltmp2:
0x17a: {  	vm1 =	vgt.f32 v43, v25;
	v29 =	vadd.f32 v29, v36;
	v48 =	vsub.f32 v35, v7;
	v36 =	vld [tilespmem:s0+$0x0];
	(pc) =	sbr.rel @p0 .LBB2_7-.Ltmp2, $4  }
0x17b: {  	s7 =	sadd.s32 $0x4, s30;
	v35 =	vadd.f32 v27, v33;
	v33 =	vadd.f32 v44, v38;
	v24 =	vmul.f32 v24, v24;
	v37 =	vld [tilespmem:s0+$0xFFFFFFF0]  }
0x17c: {  	v29 =	vmin.f32 v29, v42;
	v42 =	vadd.f32 v40, v46;
	v34 =	vsel vm2, s7, v45;
	v27 =	vld.idx.msk [tilespmem:v12+s10+$0x80 ss:$0x1], $0xffff  }
0x17d: {  	v40 =	vmul.f32 v39, v39;
	v38 =	vsel vm1, v43, v25;
	v41 =	vadd.f32 v24, v33;
	[tilespmem:s0+$0xFFFFFFD0] =	vst v29;
	v24 =	vld [tilespmem:s0+$0x20]  }
0x17e: {  	v39 =	vadd.f32 v47, v42;
	vm2 =	vgt.f32 v18, v38;
	v33 =	vmul.f32 v48, v48;
	s10 =	sadd.s32 $0x200, s10;
	v25 =	vld [tilespmem:s0+$0x10]  }
0x17f: {  	v8 =	vadd.f32 v32, v35  }
0x180: {  	v9 =	vadd.f32 v40, v23;
	v10 =	vmin.f32 v41, v36;
	v11 =	vsub.f32 v31, v7  }
0x181: {  	v13 =	vsel vm2, v18, v38;
	v14 =	vsub.f32 v30, v6;
	v8 =	vmin.f32 v8, v19  }
0x182: {  	v7 =	vsub.f32 v26, v7;
	v6 =	vsub.f32 v22, v6;
	vm3 =	vgt.f32 v8, v13  }
0x183: {  	v52 =	vsub.f32 v28, v5;
	v9 =	vadd.f32 v21, v9;
	v13 =	vsel vm3, v8, v13  }
0x184: {  	v16 =	vmul.f32 v16, v16;
	v12 =	vmin.f32 v39, v37;
	vm4 =	vgt.f32 v29, v13  }
0x185: {  	v6 =	vmul.f32 v6, v6;
	v9 =	vmin.f32 v9, v17;
	v13 =	vsel vm4, v29, v13  }
0x186: {  	v14 =	vmul.f32 v14, v14;
	v7 =	vmul.f32 v7, v7;
	vm5 =	vgt.f32 v9, v13  }
0x187: {  	v53 =	vmul.f32 v52, v52;
	v6 =	vadd.f32 v33, v6;
	v13 =	vsel vm5, v9, v13  }
0x188: {  	v11 =	vmul.f32 v11, v11;
	v5 =	vsub.f32 v27, v5;
	vm6 =	vgt.f32 v12, v13  }
0x189: {  	v7 =	vadd.f32 v7, v14;
	v6 =	vadd.f32 v53, v6;
	v13 =	vsel vm6, v12, v13  }
0x18a: {  	v11 =	vadd.f32 v11, v15;
	v5 =	vmul.f32 v5, v5;
	vm7 =	vgt.f32 v10, v13  }
0x18b: {  	v7 =	vadd.f32 v16, v7;
	v6 =	vmin.f32 v6, v25;
	v13 =	vsel vm7, v10, v13  }
0x18c: {  	vm8 =	vgt.f32 v6, v13  }
0x18d: {  	v5 =	vadd.f32 v5, v11;
	v7 =	vmin.f32 v7, v24;
	v54 =	vsel vm8, v6, v13  }
0x18e: {  	v55 =	vsel vm0, s9, v34;
	s0 =	sadd.s32 $0x6, s30;
	vm10 =	vgt.f32 v7, v54  }
0x18f: {  	s17 =	sadd.s32 $0x7, s30;
	v5 =	vmin.f32 v5, v20;
	v13 =	vsel vm1, s0, v55;
	v11 =	vsel vm10, v7, v54  }
0x190: {  	v13 =	vsel vm2, s17, v13;
	vm11 =	vgt.f32 v5, v11  }
0x191: {  	s18 =	sadd.s32 $0x1, s2;
	v13 =	vsel vm3, s2, v13;
	v11 =	vsel vm11, v5, v11  }
0x192: {  	s20 =	sadd.s32 $0x2, s2;
	v13 =	vsel vm4, s18, v13;
	(xrf0) =	vmax.scan.msk.f32 $0xffff, v11  }
0x193: {  	s24 =	sadd.s32 $0x3, s2;
	v13 =	vsel vm5, s20, v13  }
0x194: {  	s25 =	sadd.s32 $0x4, s2;
	v13 =	vsel vm6, s24, v13  }
0x195: {  	v13 =	vsel vm7, s25, v13  }
0x196: {  	s29 =	sadd.s32 $0x6, s2;
	v13 =	vsel vm8, s3, v13  }
0x197: {  	s30 =	sadd.s32 $0x7, s2;
	v13 =	vsel vm10, s29, v13  }
0x198: {  	v13 =	vsel vm11, s30, v13;
	v56, _, _ =	vpop (xrf0)  }
0x199: {  	v13 =	vshll.u32 v13, $0x4;
	v14 =	vbroadcast v56, $0xF  }
0x19a: {  	v13 =	vadd.s32 v0, v13  }
0x19b: {  	v57 =	vxor.u32 v4, v13;
	vm12 =	veq.f32 v11, v14  }
0x19c: {  	v11 =	vnsel vm12, $0xC0000000, v57  }
0x19d: {  	(xrf0) =	vmin.scan.msk.u32 $0xffff, v11;
	_ =	sdelay $0x5  }
0x19e: {  	v11, _, _ =	vpop (xrf0)  }
0x19f: {  	(v2sf) =	vpush v11, $0xF;
	_ =	sdelay $0xb  }
0x1a0: {  	[tilespmem:s1+$0x0] =	vst v10  }
0x1a1: {  	[tilespmem:s1+$0xFFFFFFF0] =	vst v12  }
0x1a2: {  	[tilespmem:s1+$0xFFFFFFC0] =	vst v8  }
0x1a3: {  	[tilespmem:s1+$0xFFFFFFE0] =	vst v9;
	s31 =	spop (v2sf)  }
0x1a4: {  	[tilespmem:s1+$0x30] =	vst v5;
	s0 =	sxor.u32 $0x80000000, s31  }
0x1a5: {  	[tilespmem:s1+$0x20] =	vst v7;
	v5 =	vmov s0  }
0x1a6: {  	[tilespmem:s1+$0x10] =	vst v6;
	v5 =	vbroadcast v5, $0x0  }
0x1a7: {  	[tilespmem:$0x9680] =	vst v14  }
0x1a8: {  	[tilespmem:$0x9700] =	vst v5  }
0x1a9: {  	[spmem:s4] =	stream.linear.scatter [tilespmem:s12], [sflag:$0x1], $0x100, $0x38;
	[tilespmem:$0x9C00] =	vst v63  }
0x1aa: {  	_ =	swait.ge [sflag:s19], $0x100  }
0x1ab: {  	[sflag:s19] =	ssyncset.done $0x0  }
0x1ac: {  	[sflag:s19] =	ssyncadd.s32 $0xFFFFFF00  }
0x1ad: {  	[bflag:$0x0] =	sbarrier.arrive $0xFFFF  }
0x1ae: {  	[tilespmem:s21], [sflag:$0x1] =	stream.linear.gather [spmem:s5], $0x400, $0x38;
	[tilespmem:$0x9C00] =	vst v63  }
0x1af: {  	_ =	swait.ge [sflag:s19], $0x400  }
0x1b0: {  	[sflag:s19] =	ssyncset.done $0x0  }
0x1b1: {  	[sflag:s19] =	ssyncadd.s32 $0xFFFFFC00  }
0x1b2: {  	v5 =	vld [tilespmem:$0x9780]  }
0x1b3: {  	v6 =	vld [tilespmem:$0x9880]  }
0x1b4: {  	v7 =	vld [tilespmem:$0x9980]  }
0x1b5: {  	v58 =	vld [tilespmem:$0x9A80];
	_ =	sdelay $0x1  }
0x1b6: {  	v59 =	vld [tilespmem:$0x9A00]  }
0x1b7: {  	v60 =	vld [tilespmem:$0x9B00]  }
0x1b8: {  	v61 =	vld [tilespmem:$0x9900]  }
0x1b9: {  	v62 =	vld [tilespmem:$0x9800];
	v63 =	vmax.f32 v5, v6;
	v8 =	vmax.f32 v7, v58  }
0x1ba: {  	v8 =	vmax.f32 v63, v8  }
0x1bb: {  	s28 =	sadd.s32 $0x1, s28;
	vm13 =	veq.f32 v7, v8  }
0x1bc: {  	p0 =	sne.s32 s28, $0x100;
	vm14 =	veq.f32 v6, v8;
	v6 =	vsel vm13, v59, v60  }
.Ltmp3:
0x1bd: {  	vm15 =	veq.f32 v5, v8;
	v5 =	vsel vm14, v61, v6;
	(pc) =	sbr.rel @p0 .LBB2_4-.Ltmp3, $4  }
0x1be: {  	v5 =	vsel vm15, v62, v5  }
0x1bf: {  	vm0 =	vgt.s32 v5, $0x0  }
0x1c0: {  	v5 =	vnsel vm0, $0x0, v5  }
0x1c1: {  	v5 =	vmin.u32 v5, $0xFFF  }
0x1c2: {  	s0 =	simm.s32 $0xC0  }
0x1c3: {  	v6 =	vld [tilespmem:s0+$0xFFFFFFB0]  }
0x1c4: {  	v5 =	vld [tilespmem:s0+$0x30]  }
0x1c5: {  	v7 =	vld [tilespmem:s0+$0xFFFFFFC0]  }
0x1c6: {  	v8 =	vld [tilespmem:s0+$0xB0]  }
0x1c7: {  	v9 =	vld [tilespmem:s0+$0xFFFFFF50]  }
0x1c8: {  	v10 =	vld [tilespmem:s0+$0xFFFFFFD0]  }
0x1c9: {  	v12 =	vld [tilespmem:s0+$0xFFFFFF60]  }
0x1ca: {  	v18 =	vld [tilespmem:s0+$0xFFFFFFE0]  }
0x1cb: {  	v19 =	vld [tilespmem:s0+$0xFFFFFF70]  }
0x1cc: {  	v23 =	vld [tilespmem:s0+$0xFFFFFFF0]  }
0x1cd: {  	v25 =	vld [tilespmem:s0+$0xFFFFFF80]  }
0x1ce: {  	v26 =	vld [tilespmem:s0+$0x0]  }
0x1cf: {  	v29 =	vld [tilespmem:s0+$0xFFFFFF90]  }
0x1d0: {  	v33 =	vld [tilespmem:s0+$0x10]  }
0x1d1: {  	v35 =	vld [tilespmem:s0+$0xFFFFFFA0]  }
0x1d2: {  	v37 =	vld [tilespmem:s0+$0x20];
	v11 =	vshrl.u32 v6, $0x10  }
0x1d3: {  	v38 =	vld [tilespmem:s0+$0xFFFFFF40];
	v13 =	vmul.f32 v6, v6;
	v14 =	vmul.f32 v5, v5;
	v15 =	vshrl.u32 v5, $0x10  }
0x1d4: {  	v40 =	vld [tilespmem:s0+$0x40];
	v16 =	vmul.f32 v7, v7;
	v17 =	vshrl.u32 v7, $0x10;
	v20 =	vshrl.u32 v8, $0x10  }
0x1d5: {  	v43 =	vld [tilespmem:s0+$0x50];
	v21 =	vmul.f32 v9, v9;
	v22 =	vshrl.u32 v9, $0x10;
	v24 =	vmul.f32 v10, v10  }
0x1d6: {  	v45 =	vld [tilespmem:s0+$0x60];
	v27 =	vmul.f32 v18, v18;
	v28 =	vshrl.u32 v12, $0x10;
	v30 =	vshrl.u32 v18, $0x10  }
0x1d7: {  	v48 =	vld [tilespmem:s0+$0x70];
	v31 =	vmul.f32 v19, v19;
	v32 =	vshrl.u32 v19, $0x10;
	v34 =	vshrl.u32 v23, $0x10  }
0x1d8: {  	v52 =	vld [tilespmem:s0+$0x80];
	v36 =	vshrl.u32 v25, $0x10;
	v58 =	vmul.f32 v26, v26;
	v39 =	vshrl.u32 v26, $0x10  }
0x1d9: {  	v41 =	vmul.f32 v29, v29;
	v42 =	vshrl.u32 v29, $0x10;
	v59 =	vmul.f32 v33, v33  }
0x1da: {  	v44 =	vshrl.u32 v33, $0x10;
	v46 =	vmul.f32 v35, v35;
	v47 =	vshrl.u32 v35, $0x10  }
0x1db: {  	v60 =	vmul.f32 v37, v37;
	v49 =	vshrl.u32 v37, $0x10;
	v50 =	vmul.f32 v38, v38  }
0x1dc: {  	v51 =	vshrl.u32 v38, $0x10;
	v53 =	vshrl.u32 v40, $0x10;
	v61 =	vshrl.u32 v43, $0x10  }
0x1dd: {  	v55 =	vshrl.u32 v45, $0x10;
	v56 =	vshrl.u32 v48, $0x10;
	v57 =	vshrl.u32 v52, $0x10  }
0x1de: {  	v62 =	vmul.f32 v45, v45;
	v63 =	vmul.f32 v52, v52;
	v11 =	vand.u32 $0x1, v11  }
0x1df: {  	v20 =	vand.u32 $0x1, v20;
	v17 =	vand.u32 $0x1, v17;
	v22 =	vand.u32 $0x1, v22  }
0x1e0: {  	v51 =	vand.u32 $0x1, v51;
	v28 =	vand.u32 $0x1, v28;
	v30 =	vand.u32 $0x1, v30  }
0x1e1: {  	v55 =	vand.u32 $0x1, v55;
	v32 =	vand.u32 $0x1, v32;
	v34 =	vand.u32 $0x1, v34  }
0x1e2: {  	v56 =	vand.u32 $0x1, v56;
	v36 =	vand.u32 $0x1, v36;
	v39 =	vand.u32 $0x1, v39  }
0x1e3: {  	v57 =	vand.u32 $0x1, v57;
	v42 =	vand.u32 $0x1, v42;
	v44 =	vand.u32 $0x1, v44  }
0x1e4: {  	v54 =	vld [tilespmem:s0+$0x90];
	v47 =	vand.u32 $0x1, v47;
	v49 =	vand.u32 $0x1, v49;
	v15 =	vand.u32 $0x1, v15  }
0x1e5: {  	v13 =	vadd.f32 v14, v13;
	v14 =	vmul.f32 v8, v8;
	v8 =	vadd.s32 v20, v8  }
0x1e6: {  	v20 =	vmul.f32 v12, v12;
	v21 =	vadd.f32 v24, v21;
	v24 =	vmul.f32 v23, v23  }
0x1e7: {  	v16 =	vadd.f32 v16, v50;
	v50 =	vand.u32 $0x1, v61;
	v61 =	vmul.f32 v43, v43  }
0x1e8: {  	v38 =	vadd.s32 v51, v38;
	v7 =	vadd.s32 v17, v7;
	v17 =	vmul.f32 v48, v48  }
0x1e9: {  	v9 =	vadd.s32 v22, v9;
	v22 =	vmul.f32 v54, v54;
	v12 =	vadd.s32 v28, v12  }
0x1ea: {  	v18 =	vadd.s32 v30, v18;
	v45 =	vadd.s32 v55, v45;
	v19 =	vadd.s32 v32, v19  }
0x1eb: {  	v23 =	vadd.s32 v34, v23;
	v26 =	vadd.s32 v39, v26;
	v52 =	vadd.s32 v57, v52  }
0x1ec: {  	v29 =	vadd.s32 v42, v29;
	v33 =	vadd.s32 v44, v33;
	v35 =	vadd.s32 v47, v35  }
0x1ed: {  	v55 =	vadd.s32 v49, v37;
	v57 =	vadd.s32 v11, v6;
	v5 =	vadd.s32 v15, v5  }
0x1ee: {  	v8 =	vadd.s32 $0x7FFF, v8;
	v43 =	vadd.s32 v50, v43;
	v50 =	vadd.s32 v56, v48  }
0x1ef: {  	v19 =	vadd.s32 $0x7FFF, v19;
	v13 =	vadd.f32 v14, v13;
	v14 =	vshrl.u32 v10, $0x10  }
0x1f0: {  	v8 =	vand.u32 $0xFFFF0000, v8;
	v20 =	vadd.f32 v27, v20;
	v24 =	vadd.f32 v24, v31  }
0x1f1: {  	v27 =	vmul.f32 v25, v25;
	v31 =	vadd.f32 v59, v41;
	v41 =	vadd.f32 v60, v46  }
0x1f2: {  	v46 =	vand.u32 $0x1, v53;
	v60 =	vmul.f32 v40, v40;
	v25 =	vadd.s32 v36, v25  }
0x1f3: {  	v11 =	vadd.f32 v61, v21;
	v21 =	vadd.s32 $0x7FFF, v38;
	v61 =	vadd.s32 $0x7FFF, v43  }
0x1f4: {  	v14 =	vand.u32 $0x1, v14;
	v40 =	vadd.s32 v46, v40;
	v21 =	vand.u32 $0xFFFF0000, v21  }
0x1f5: {  	v27 =	vadd.f32 v58, v27;
	v58 =	vshrl.u32 v54, $0x10;
	v6 =	vadd.f32 v60, v16  }
0x1f6: {  	s1 =	simm.s32 $0x4640;
	v10 =	vadd.s32 v14, v10;
	v15 =	vadd.f32 v62, v20;
	v16 =	vadd.f32 v17, v24  }
0x1f7: {  	[tilespmem:s1+$0x30] =	vst v13;
	v13 =	vadd.s32 $0x7FFF, v7;
	v22 =	vadd.f32 v22, v31;
	v62 =	vadd.s32 $0x7FFF, v12  }
0x1f8: {  	v20 =	vadd.s32 $0x7FFF, v23;
	v7 =	vadd.s32 $0x7FFF, v50;
	v17 =	vadd.s32 $0x7FFF, v25  }
0x1f9: {  	v53 =	vld [tilespmem:s0+$0xA0];
	s0 =	simm.s32 $0x5740;
	[tilespmem:s1+$0xFFFFFFD0] =	vst v11;
	v11 =	vadd.s32 $0x7FFF, v35;
	v12 =	vadd.s32 $0x7FFF, v55;
	v23 =	vand.u32 $0xFFFF0000, v61  }
0x1fa: {  	v58 =	vand.u32 $0x1, v58;
	[tilespmem:s0+$0xB0] =	vst v8;
	v60 =	vadd.s32 $0x7FFF, v10;
	v8 =	vadd.s32 $0x7FFF, v57  }
0x1fb: {  	v54 =	vadd.s32 v58, v54;
	v24 =	vadd.f32 v63, v27;
	v27 =	vadd.s32 $0x7FFF, v40;
	[tilespmem:s1+$0xFFFFFFC0] =	vst v6  }
0x1fc: {  	v58 =	vadd.s32 $0x7FFF, v9;
	v63 =	vadd.s32 $0x7FFF, v18;
	v6 =	vadd.s32 $0x7FFF, v45;
	[tilespmem:s1+$0xFFFFFFE0] =	vst v15  }
0x1fd: {  	[tilespmem:s1+$0xFFFFFFF0] =	vst v16;
	v18 =	vadd.s32 $0x7FFF, v26;
	v15 =	vadd.s32 $0x7FFF, v29;
	v16 =	vadd.s32 $0x7FFF, v33  }
0x1fe: {  	[tilespmem:s1+$0x10] =	vst v22;
	v22 =	vand.u32 $0xFFFF0000, v13;
	v59 =	vshrl.u32 v53, $0x10;
	v14 =	vmul.f32 v53, v53  }
0x1ff: {  	v13 =	vadd.s32 $0x7FFF, v5;
	v9 =	vadd.s32 $0x7FFF, v54;
	[tilespmem:s0+$0xFFFFFF40] =	vst v21;
	v59 =	vand.u32 $0x1, v59  }
0x200: {  	v26 =	vand.u32 $0xFFFF0000, v27;
	[tilespmem:s0+$0xFFFFFFC0] =	vst v22;
	v56 =	vadd.s32 v59, v53;
	v59 =	vadd.f32 v14, v41  }
0x201: {  	v25 =	vand.u32 $0xFFFF0000, v58;
	v22 =	vand.u32 $0xFFFF0000, v62;
	v21 =	vand.u32 $0xFFFF0000, v63;
	[tilespmem:s1+$0x0] =	vst v24  }
0x202: {  	s9 =	simm.s32 $0x0;
	s10 =	simm.s32 $0x2C0;
	s2 =	simm.s32 $0x5740;
	v24 =	vand.u32 $0xFFFF0000, v60;
	v14 =	vadd.s32 $0x7FFF, v52;
	v10 =	vadd.s32 $0x7FFF, v56;
	[tilespmem:s1+$0x20] =	vst v59  }
.LBB2_10:
0x203: {  	v5 =	vld [tilespmem:s10+$0xFFFFFFB0];
	[tilespmem:s0+$0x40] =	vst v26;
	v26 =	vand.u32 $0xFFFF0000, v6;
	v19 =	vand.u32 $0xFFFF0000, v19;
	v20 =	vand.u32 $0xFFFF0000, v20  }
0x204: {  	v17 =	vand.u32 $0xFFFF0000, v17;
	v18 =	vand.u32 $0xFFFF0000, v18;
	v6 =	vld [tilespmem:s10+$0x30];
	[tilespmem:s0+$0xFFFFFF50] =	vst v25;
	v25 =	vand.u32 $0xFFFF0000, v7  }
0x205: {  	s9 =	sadd.s32 $0x8, s9;
	v27 =	vand.u32 $0xFFFF0000, v15;
	v28 =	vand.u32 $0xFFFF0000, v16;
	v7 =	vld [tilespmem:s10+$0xFFFFFFC0];
	[tilespmem:s0+$0xFFFFFFD0] =	vst v24;
	v24 =	vand.u32 $0xFFFF0000, v14  }
0x206: {  	v30 =	vand.u32 $0xFFFF0000, v11;
	v31 =	vand.u32 $0xFFFF0000, v12;
	p0 =	slt.u32 s9, $0xF8;
	v29 =	vld [tilespmem:s10+$0xB0];
	[tilespmem:s0+$0x50] =	vst v23;
	v23 =	vand.u32 $0xFFFF0000, v9  }
0x207: {  	v32 =	vand.u32 $0xFFFF0000, v8;
	v33 =	vand.u32 $0xFFFF0000, v13;
	v9 =	vld [tilespmem:s10+$0xFFFFFF50];
	[tilespmem:s0+$0xFFFFFF60] =	vst v22;
	v22 =	vand.u32 $0xFFFF0000, v10  }
0x208: {  	v10 =	vld [tilespmem:s10+$0xFFFFFFD0];
	v8 =	vshrl.u32 v5, $0x10;
	[tilespmem:s0+$0xFFFFFFE0] =	vst v21  }
0x209: {  	v14 =	vmul.f32 v5, v5;
	v11 =	vld [tilespmem:s10+$0xFFFFFF60];
	v15 =	vmul.f32 v6, v6;
	v16 =	vshrl.u32 v6, $0x10;
	[tilespmem:s0+$0x60] =	vst v26  }
0x20a: {  	v8 =	vand.u32 $0x1, v8;
	v21 =	vmul.f32 v7, v7;
	v26 =	vshrl.u32 v7, $0x10;
	v12 =	vld [tilespmem:s10+$0xFFFFFFE0];
	[tilespmem:s0+$0xFFFFFF70] =	vst v19  }
0x20b: {  	v13 =	vld [tilespmem:s10+$0xFFFFFF70];
	v19 =	vadd.f32 v15, v14;
	v34 =	vmul.f32 v29, v29;
	v15 =	vshrl.u32 v29, $0x10;
	[tilespmem:s0+$0xFFFFFFF0] =	vst v20  }
0x20c: {  	v20 =	vmul.f32 v9, v9;
	v35 =	vshrl.u32 v9, $0x10;
	v14 =	vld [tilespmem:s10+$0xFFFFFFF0];
	v36 =	vand.u32 $0x1, v15;
	[tilespmem:s0+$0x70] =	vst v25  }
0x20d: {  	v25 =	vmul.f32 v10, v10;
	v15 =	vld [tilespmem:s10+$0xFFFFFF80];
	v19 =	vadd.f32 v34, v19;
	v29 =	vadd.s32 v36, v29;
	[tilespmem:s0+$0xFFFFFF80] =	vst v17  }
0x20e: {  	s1 =	sadd.s32 $0x80, s1;
	v34 =	vshrl.u32 v10, $0x10;
	v36 =	vmul.f32 v11, v11;
	v17 =	vld [tilespmem:s10+$0x0];
	v29 =	vadd.s32 $0x7FFF, v29;
	[tilespmem:s0+$0x0] =	vst v18  }
0x20f: {  	v38 =	vshrl.u32 v11, $0x10;
	s0 =	sadd.s32 $0x200, s0;
	v37 =	vmul.f32 v12, v12;
	v18 =	vld [tilespmem:s10+$0xFFFFFF90];
	[tilespmem:s1+$0x30] =	vst v19;
	v19 =	vand.u32 $0xFFFF0000, v29  }
0x210: {  	s3 =	simm.s32 $0x0;
	v29 =	vshrl.u32 v12, $0x10;
	v39 =	vmul.f32 v13, v13;
	v40 =	vshrl.u32 v13, $0x10;
	v41 =	vld [tilespmem:s10+$0x10];
	[tilespmem:s0+$0xB0] =	vst v19  }
0x211: {  	v19 =	vadd.f32 v25, v20;
	v20 =	vmul.f32 v14, v14;
	v25 =	vshrl.u32 v14, $0x10;
	v42 =	vld [tilespmem:s10+$0xFFFFFFA0];
	[tilespmem:s2+$0x80] =	vst v24  }
0x212: {  	v24 =	vadd.f32 v37, v36;
	v36 =	vmul.f32 v15, v15;
	v37 =	vshrl.u32 v15, $0x10;
	v43 =	vld [tilespmem:s10+$0x20];
	[tilespmem:s2+$0xFFFFFF90] =	vst v27  }
0x213: {  	v27 =	vld [tilespmem:s10+$0xFFFFFF40];
	v20 =	vadd.f32 v20, v39;
	v39 =	vmul.f32 v17, v17;
	v44 =	vshrl.u32 v17, $0x10;
	[tilespmem:s2+$0x10] =	vst v28  }
0x214: {  	v26 =	vand.u32 $0x1, v26;
	v28 =	vld [tilespmem:s10+$0x40];
	v45 =	vmul.f32 v18, v18;
	v46 =	vshrl.u32 v18, $0x10;
	[tilespmem:s2+$0x90] =	vst v23  }
0x215: {  	v23 =	vld [tilespmem:s10+$0x50];
	v36 =	vadd.f32 v39, v36;
	v39 =	vmul.f32 v41, v41;
	v47 =	vshrl.u32 v41, $0x10;
	[tilespmem:s2+$0xFFFFFFA0] =	vst v30  }
0x216: {  	v30 =	vand.u32 $0x1, v35;
	v35 =	vld [tilespmem:s10+$0x60];
	v48 =	vmul.f32 v42, v42;
	v49 =	vshrl.u32 v42, $0x10;
	[tilespmem:s2+$0x20] =	vst v31  }
0x217: {  	v31 =	vld [tilespmem:s10+$0x70];
	v39 =	vadd.f32 v39, v45;
	v45 =	vmul.f32 v43, v43;
	v50 =	vshrl.u32 v43, $0x10;
	[tilespmem:s2+$0xA0] =	vst v22  }
0x218: {  	v34 =	vand.u32 $0x1, v34;
	v22 =	vmul.f32 v27, v27;
	v51 =	vshrl.u32 v27, $0x10;
	v52 =	vld [tilespmem:s10+$0x80];
	[tilespmem:s2+$0xFFFFFFB0] =	vst v32  }
0x219: {  	v32 =	vand.u32 $0x1, v51;
	v51 =	vshrl.u32 v28, $0x10;
	v53 =	vld [tilespmem:s10+$0x90];
	v45 =	vadd.f32 v45, v48;
	[tilespmem:s2+$0x30] =	vst v33;
	s2 =	smov.u32 s0  }
0x21a: {  	v21 =	vadd.f32 v21, v22;
	v22 =	vand.u32 $0x1, v51;
	v33 =	vshrl.u32 v23, $0x10;
	v48 =	vld [tilespmem:s10+$0xA0]  }
0x21b: {  	v38 =	vand.u32 $0x1, v38;
	v33 =	vand.u32 $0x1, v33;
	v51 =	vshrl.u32 v35, $0x10  }
0x21c: {  	v29 =	vand.u32 $0x1, v29;
	v51 =	vand.u32 $0x1, v51;
	v54 =	vshrl.u32 v31, $0x10  }
0x21d: {  	v40 =	vand.u32 $0x1, v40;
	v25 =	vand.u32 $0x1, v25;
	v55 =	vshrl.u32 v52, $0x10  }
0x21e: {  	v37 =	vand.u32 $0x1, v37;
	v54 =	vand.u32 $0x1, v54;
	v56 =	vshrl.u32 v53, $0x10  }
0x21f: {  	v44 =	vand.u32 $0x1, v44;
	v55 =	vand.u32 $0x1, v55;
	v57 =	vshrl.u32 v48, $0x10  }
0x220: {  	v46 =	vand.u32 $0x1, v46;
	v47 =	vand.u32 $0x1, v47;
	v56 =	vand.u32 $0x1, v56  }
0x221: {  	v49 =	vand.u32 $0x1, v49;
	v50 =	vand.u32 $0x1, v50;
	v57 =	vand.u32 $0x1, v57  }
0x222: {  	v16 =	vand.u32 $0x1, v16;
	v58 =	vmul.f32 v28, v28;
	v59 =	vmul.f32 v23, v23  }
0x223: {  	v27 =	vadd.s32 v32, v27;
	v32 =	vmul.f32 v35, v35;
	v60 =	vmul.f32 v31, v31  }
0x224: {  	v7 =	vadd.s32 v26, v7;
	v26 =	vmul.f32 v52, v52;
	v61 =	vmul.f32 v53, v53  }
0x225: {  	v9 =	vadd.s32 v30, v9;
	v22 =	vadd.s32 v22, v28;
	v28 =	vmul.f32 v48, v48  }
0x226: {  	v10 =	vadd.s32 v34, v10;
	v11 =	vadd.s32 v38, v11;
	v23 =	vadd.s32 v33, v23  }
0x227: {  	v12 =	vadd.s32 v29, v12;
	v13 =	vadd.s32 v40, v13;
	v29 =	vadd.s32 v51, v35  }
0x228: {  	v14 =	vadd.s32 v25, v14;
	v15 =	vadd.s32 v37, v15;
	v25 =	vadd.s32 v54, v31  }
0x229: {  	v30 =	vadd.s32 v44, v17;
	v33 =	vadd.s32 v46, v18;
	v31 =	vadd.s32 v55, v52  }
0x22a: {  	v34 =	vadd.s32 v47, v41;
	v37 =	vadd.s32 v49, v42;
	v35 =	vadd.s32 v56, v53  }
0x22b: {  	v5 =	vadd.s32 v8, v5;
	v38 =	vadd.s32 v50, v43;
	v40 =	vadd.s32 v57, v48  }
0x22c: {  	v8 =	vadd.f32 v58, v21;
	v17 =	vadd.f32 v59, v19;
	v21 =	vadd.s32 v16, v6  }
0x22d: {  	v27 =	vadd.s32 $0x7FFF, v27;
	v6 =	vadd.f32 v32, v24;
	v16 =	vadd.f32 v60, v20  }
0x22e: {  	v24 =	vadd.s32 $0x7FFF, v7;
	[tilespmem:s1+$0xFFFFFFC0] =	vst v8;
	v8 =	vadd.f32 v26, v36;
	v26 =	vadd.f32 v61, v39  }
0x22f: {  	v22 =	vadd.s32 $0x7FFF, v22;
	v32 =	vadd.s32 $0x7FFF, v9;
	v28 =	vadd.f32 v28, v45;
	[tilespmem:s1+$0xFFFFFFD0] =	vst v17  }
0x230: {  	v23 =	vadd.s32 $0x7FFF, v23;
	v36 =	vadd.s32 $0x7FFF, v10;
	v39 =	vadd.s32 $0x7FFF, v11;
	[tilespmem:s1+$0xFFFFFFE0] =	vst v6  }
0x231: {  	v41 =	vadd.s32 $0x7FFF, v12;
	v19 =	vadd.s32 $0x7FFF, v13;
	v6 =	vadd.s32 $0x7FFF, v29;
	[tilespmem:s1+$0xFFFFFFF0] =	vst v16  }
0x232: {  	v20 =	vadd.s32 $0x7FFF, v14;
	v7 =	vadd.s32 $0x7FFF, v25;
	v17 =	vadd.s32 $0x7FFF, v15;
	[tilespmem:s1+$0x0] =	vst v8  }
0x233: {  	v18 =	vadd.s32 $0x7FFF, v30;
	v14 =	vadd.s32 $0x7FFF, v31;
	v15 =	vadd.s32 $0x7FFF, v33;
	[tilespmem:s1+$0x10] =	vst v26  }
.Ltmp4:
0x234: {  	v9 =	vadd.s32 $0x7FFF, v35;
	v11 =	vadd.s32 $0x7FFF, v37;
	v16 =	vadd.s32 $0x7FFF, v34;
	[tilespmem:s1+$0x20] =	vst v28;
	(pc) =	sbr.rel @p0 .LBB2_10-.Ltmp4, $4  }
0x235: {  	v12 =	vadd.s32 $0x7FFF, v38;
	v10 =	vadd.s32 $0x7FFF, v40;
	v8 =	vadd.s32 $0x7FFF, v5  }
0x236: {  	v13 =	vadd.s32 $0x7FFF, v21;
	v5 =	vand.u32 $0xFFFF0000, v27;
	v27 =	vand.u32 $0xFFFF0000, v24  }
0x237: {  	v25 =	vand.u32 $0xFFFF0000, v32;
	v24 =	vand.u32 $0xFFFF0000, v36;
	v26 =	vand.u32 $0xFFFF0000, v22;
	[tilespmem:s0+$0xFFFFFF40] =	vst v5  }
0x238: {  	s10 =	sadd.s32 $0x200, s10;
	v21 =	vand.u32 $0xFFFF0000, v41;
	v23 =	vand.u32 $0xFFFF0000, v23;
	v22 =	vand.u32 $0xFFFF0000, v39;
	[tilespmem:s0+$0xFFFFFFC0] =	vst v27  }
0x239: {  	[tilespmem:s0+$0x40] =	vst v26  }
0x23a: {  	[tilespmem:s0+$0xFFFFFF50] =	vst v25  }
0x23b: {  	[tilespmem:s0+$0xFFFFFFD0] =	vst v24  }
0x23c: {  	[tilespmem:s0+$0x50] =	vst v23  }
0x23d: {  	[tilespmem:s0+$0xFFFFFF60] =	vst v22  }
0x23e: {  	v5 =	vand.u32 $0xFFFF0000, v6;
	[tilespmem:s0+$0xFFFFFFE0] =	vst v21  }
0x23f: {  	v6 =	vand.u32 $0xFFFF0000, v19;
	[tilespmem:s0+$0x60] =	vst v5  }
0x240: {  	v5 =	vand.u32 $0xFFFF0000, v20;
	[tilespmem:s0+$0xFFFFFF70] =	vst v6  }
0x241: {  	v6 =	vand.u32 $0xFFFF0000, v7;
	[tilespmem:s0+$0xFFFFFFF0] =	vst v5  }
0x242: {  	v5 =	vand.u32 $0xFFFF0000, v17;
	[tilespmem:s0+$0x70] =	vst v6  }
0x243: {  	v6 =	vand.u32 $0xFFFF0000, v18;
	[tilespmem:s0+$0xFFFFFF80] =	vst v5  }
0x244: {  	v5 =	vand.u32 $0xFFFF0000, v14;
	[tilespmem:s0+$0x0] =	vst v6  }
0x245: {  	v6 =	vand.u32 $0xFFFF0000, v15;
	[tilespmem:s2+$0x80] =	vst v5  }
0x246: {  	v5 =	vand.u32 $0xFFFF0000, v16;
	[tilespmem:s2+$0xFFFFFF90] =	vst v6  }
0x247: {  	v6 =	vand.u32 $0xFFFF0000, v9;
	[tilespmem:s2+$0x10] =	vst v5  }
0x248: {  	v5 =	vand.u32 $0xFFFF0000, v11;
	[tilespmem:s2+$0x90] =	vst v6  }
0x249: {  	v6 =	vand.u32 $0xFFFF0000, v12;
	[tilespmem:s2+$0xFFFFFFA0] =	vst v5  }
0x24a: {  	v5 =	vand.u32 $0xFFFF0000, v10;
	[tilespmem:s2+$0x20] =	vst v6  }
0x24b: {  	v6 =	vand.u32 $0xFFFF0000, v8;
	[tilespmem:s2+$0xA0] =	vst v5  }
0x24c: {  	v5 =	vand.u32 $0xFFFF0000, v13;
	[tilespmem:s2+$0xFFFFFFB0] =	vst v6  }
0x24d: {  	s10 =	simm.s32 $0x0;
	[tilespmem:s2+$0x30] =	vst v5  }
0x24e: {  	s9 =	simm.s32 $0x5600;
	s0 =	simm.s32 $0x0;
	s11 =	rddreg [dreg:$0x7]  }
.LBB2_12:
0x24f: {  	s1 =	sadd.s32 s11, s0  }
0x250: {  	v5 =	vmov s1;
	_ =	sdelay $0x4  }
0x251: {  	v5 =	vld.idx.msk [tilespmem:v5+s22+$0x0], $0xffff;
	_ =	sdelay $0x4  }
0x252: {  	vm0 =	vgt.s32 v5, $0x0  }
0x253: {  	v5 =	vnsel vm0, $0x0, v5  }
0x254: {  	v5 =	vmin.u32 v5, $0xFFF  }
0x255: {  	v6 =	vshll.u32 v5, $0x2  }
0x256: {  	v5 =	vand.u32 $0x7F, v5;
	v6 =	vand.u32 $0x3E00, v6  }
0x257: {  	v5 =	vor.u32 v5, v6  }
0x258: {  	v6 =	vor.u32 $0x80, v5;
	_ =	sdelay $0x1  }
0x259: {  	v8 =	vor.u32 $0x100, v5;
	_ =	sdelay $0x1  }
0x25a: {  	v7 =	vld.idx.msk [tilespmem:v5+s3+$0x0], $0xffff  }
0x25b: {  	v9 =	vld.idx.msk [tilespmem:v6+s3+$0x0], $0xffff;
	_ =	sdelay $0x1  }
0x25c: {  	v10 =	vld.idx.msk [tilespmem:v8+s3+$0x0], $0xffff;
	_ =	sdelay $0x2  }
0x25d: {  	v7 =	vmul.f32 v7, v7;
	v9 =	vmul.f32 v9, v9;
	_ =	sdelay $0x1  }
0x25e: {  	v5 =	vld.idx.msk [tilespmem:v5+s23+$0x0], $0xffff;
	v7 =	vadd.f32 v9, v7;
	v9 =	vmul.f32 v10, v10  }
0x25f: {  	v6 =	vld.idx.msk [tilespmem:v6+s23+$0x0], $0xffff  }
0x260: {  	s2 =	simm.s32 $0x0;
	s6 =	simm.s32 $0x0;
	s1 =	simm.s32 $0x0;
	v8 =	vld.idx.msk [tilespmem:v8+s23+$0x0], $0xffff;
	v7 =	vadd.f32 v9, v7  }
.LBB2_13:
0x261: {  	s7 =	sand.u32 $0x70, s1;
	s8 =	sand.u32 $0x3E00, s2  }
0x262: {  	s7 =	sor.u32 s7, s8  }
0x263: {  	v9 =	vld [tilespmem:s7+$0x5680]  }
0x264: {  	v10 =	vld [tilespmem:s7+$0x5700];
	_ =	sdelay $0x1  }
0x265: {  	v11 =	vld [tilespmem:s7+$0x5780];
	_ =	sdelay $0x2  }
0x266: {  	v9 =	vmul.f32 v9, v5;
	v10 =	vmul.f32 v10, v6;
	_ =	sdelay $0x1  }
0x267: {  	v9 =	vadd.f32 v10, v9;
	v10 =	vmul.f32 v11, v8;
	_ =	sdelay $0x1  }
0x268: {  	s30 =	sshra.s32 s2, $0x2;
	v9 =	vadd.f32 v10, v9  }
0x269: {  	v10 =	vld [tilespmem:s30+$0x4600]  }
0x26a: {  	v9 =	vadd.f32 v9, v9;
	_ =	sdelay $0x1  }
0x26b: {  	v9 =	vsub.f32 v7, v9;
	_ =	sdelay $0x1  }
0x26c: {  	v9 =	vadd.f32 v9, v10;
	_ =	sdelay $0x1  }
0x26d: {  	vm0 =	vgt.f32 v9, $2.500000000e-01  }
0x26e: {  	v9 =	vor.u32 s1, v4;
	vm0 =	vmneg vm0  }
0x26f: {  	v9 =	vnsel vm0, $0xC0000000, v9  }
0x270: {  	(xrf0) =	vmin.scan.msk.u32 $0xffff, v9;
	_ =	sdelay $0x5  }
0x271: {  	v9, _, _ =	vpop (xrf0)  }
0x272: {  	(v2sf) =	vpush v9, $0xF;
	_ =	sdelay $0xe  }
0x273: {  	s31 =	spop (v2sf)  }
0x274: {  	p0 =	sgt.u32 s6, $0xFE;
	s7 =	sxor.u32 $0x80000000, s31  }
0x275: {  	p1 =	sgt.s32 @!p0 s7, $0x3FFFFFFF  }
0x276: {  	p0 =	por p0, !p1  }
.Ltmp5:
0x277: {  	_ = 	snop;
	(pc) =	sbr.rel @!p0 .LBB2_13-.Ltmp5, $2  }
0x278: {  	_ =	sdelay $0x2  }
0x279: {  	s6 =	sadd.s32 $0x1, s6;
	s2 =	sadd.s32 $0x40, s2;
	s1 =	sadd.s32 $0x10, s1  }
0x27a: {  	v5 =	vmov s0;
	p0 =	slt.s32 s7, $0x40000000;
	s0 =	sadd.s32 $0x1, s0  }
0x27b: {  	s7 =	simm.s32 @!p0 $0x40000000;
	p0 =	sne.s32 s0, $0x80  }
.Ltmp6:
0x27c: {  	_ = 	snop;
	(pc) =	sbr.rel @p0 .LBB2_12-.Ltmp6, $3  }
0x27d: {  	_ =	sdelay $0x1  }
0x27e: {  	v6 =	vmov s7  }
0x27f: {  	[tilespmem:v5+s9+$0x0] =	vst.idx.msk $0x1, v6  }
0x280: {  	s0 =	rddreg [dreg:$0x8]  }
0x281: {  	[hbm4b:s0+s10] =	stream.linear.scatter [tilespmem:s9], [sflag:$0x1], $0x80, $0x38;
	[tilespmem:$0x9C00] =	vst v63  }
0x282: {  	_ =	swait.ge [sflag:s19], $0x80  }
0x283: {  	s1 =	rddreg [dreg:$0x12]  }
0x284: {  	s31 =	rddreg [dreg:$0x9];
	s1 =	sadd.s32 $0x1, s1  }
0x285: {  	p0 =	sne.s32 s1, s31  }
.Ltmp7:
0x286: {  	_ = 	snop;
	(pc) =	sbr.rel @p0 .LBB2_1-.Ltmp7, $3  }
0x287: {  	_ =	sdelay $0x1  }
0x288: {  	[sflag:s19] =	ssyncset.done $0x0  }
0x289: {  	[sflag:s19] =	ssyncadd.s32 $0xFFFFFF80  }
0x28a: {  	_ =	sfence.sel $0x180000  }
0x28b: {  	[bflag:$0x0] =	sbarrier.arrive $0xFFFF  }
0x28c: {  	_ =	strace $0x90000047  }
0x28d: {  	s0 =	stileid.u32;
	[bflag:$0x2] =	sbarrier.arrive $0xFFFF  }
0x28e: {  	p0 =	sne.s32 s0, $0x0;
	s0 =	rddreg [dreg:$0x2]  }
0x28f: {  	s0 =	sadd.s32 @!p0 $0x100000, s0  }
0x290: {  	[sflag:s0] =	ssyncadd.tile.s32 @!p0 $0x1;
	_ =	shalt  }
.Lfunc_end2:
_tile_overlayer_lowered:
.L_overlay_start_2:
0x291: {  	(tag) =	ssettag $0x2  }
0x292: {  	s0 =	rddreg [dreg:$0x0];
	s2 =	stileid.u32  }
0x293: {  	s1 =	rddreg [dreg:$0x1];
	p0 =	sne.s32 s2, $0x0  }
0x294: {  	s3 =	rddreg [dreg:$0x2];
	[bflag:$0x3] =	sbarrier.arrive $0xFFFF;
	s2 =	simm.s32 @!p0 $0x1C01  }
0x295: {  	[timem:s3], [sflag:s2] =	dma.local @!p0 [hbm:s0], s1  }
0x296: {  	s0 =	simm.s32 @!p0 $0x1  }
0x297: {  	_ =	swait.ge @!p0 [sflag:s0], s1  }
0x298: {  	s1 =	ssub.s32 @!p0 $0x0, s1;
	[sflag:s0] =	ssyncset.done @!p0 $0x0  }
0x299: {  	[sflag:s0] =	ssyncadd.s32 @!p0 s1  }
0x29a: {  	[bflag:$0x3] =	sbarrier.arrive $0xFFFF  }
0x29b: {  	_ =	shalt  }

</sc_bundles>
